<compile_context>
chip_gen: v7x
topology: tpu7x:2x2x1
jax: 0.10.2.dev20260603
libtpu: 0.0.44.dev20260713+nightly
codegen_flags: <defaults>
</compile_context>

<pallas_src>
import functools

import jax
import jax.numpy as jnp
from jax import lax
from jax.experimental import pallas as pl
from jax.experimental.pallas import tpu as pltpu
from jax.experimental.pallas import tpu_sc as plsc

D = 64
L = 128
NW = 32
NBLK = 6400
PER_W = NBLK // NW
NS = 5


def _body(idx_hbm, tab_hbm, out_hbm, idx_v, gbuf, sem_i, sem_g, sem_o):
    wid = lax.axis_index("s") * 2 + lax.axis_index("c")
    base = wid * PER_W

    def idx_copy(b, slot):
        return pltpu.make_async_copy(
            idx_hbm.at[base + b], idx_v.at[slot], sem_i)

    def gather_copy(slot):
        return pltpu.make_async_copy(
            tab_hbm.at[idx_v.at[slot]], gbuf.at[slot], sem_g)

    def out_copy(b, slot):
        m = base + b
        row = (m >> 7) * 16384 + (m & 127) * 128
        return pltpu.make_async_copy(
            gbuf.at[slot], out_hbm.at[pl.ds(row, L)], sem_o)

    for b in range(NS):
        idx_copy(b, b).start()
    for b in range(NS):
        idx_copy(b, b).wait()
    gather_copy(0).start()

    def step(b, slot):

        @pl.when(jnp.logical_and(b >= NS - 1, b + 1 < PER_W))
        def _():
            idx_copy(b + 1, (b + 1) % NS).wait()

        gather_copy(slot).wait()

        out_copy(b, slot).start()

        @pl.when(b >= NS - 1)
        def _():
            out_copy(b - (NS - 1), (b + 1) % NS).wait()

        @pl.when(b + 1 < PER_W)
        def _():
            gather_copy((b + 1) % NS).start()

        @pl.when(b + NS < PER_W)
        def _():
            idx_copy(b + NS, slot).start()

    def group_step(q, carry):
        for s in range(NS):
            step(q * NS + s, s)
        return carry

    lax.fori_loop(0, PER_W // NS, group_step, 0, unroll=False)

    for tail in range(PER_W - (NS - 1), PER_W):
        out_copy(tail, tail % NS).wait()


def kernel(idx, weight):
    B, S = idx.shape
    V = weight.shape[0]
    idxT = idx.T.astype(jnp.int32).reshape(NBLK, L)
    tab = jnp.pad(weight, ((0, 0), (0, D)))

    grid_kernel = functools.partial(
        pl.kernel,
        out_type=jax.ShapeDtypeStruct((S * B, 2 * D), jnp.float32),
        mesh=plsc.VectorSubcoreMesh(core_axis_name="c", subcore_axis_name="s"),
        scratch_types=[
            pltpu.VMEM((NS, L), jnp.int32),
            pltpu.VMEM((NS, L, 2 * D), jnp.float32),
            pltpu.SemaphoreType.DMA,
            pltpu.SemaphoreType.DMA,
            pltpu.SemaphoreType.DMA,
        ],
    )
    out3 = grid_kernel(_body)(idxT, tab)
    o = out3.reshape(S, B, 2 * D)[:, :, :D]
    return o.transpose(1, 0, 2)

# --- scband reference (transcript-rebuilt; emitter-appended) ---
"""Pipeline reference for scband-word2-vec-72430328480212 (READ-ONLY COPY).

The authoritative reference and input builder live on the scoring server;
editing this copy changes nothing except your own understanding.
"""

import jax, jax.numpy as jnp
import numpy as np

VOCAB_SIZE = 1000000
EMBED_SIZE = 64
PADDING_IDX = 0

def setup_inputs(seed: int = 0) -> dict:
    key = jax.random.key(seed)
    k_idx, k_w = jax.random.split(key)
    idx = jax.random.randint(k_idx, (16384, 50), 0, VOCAB_SIZE, dtype=jnp.int64 if jax.config.jax_enable_x64 else jnp.int32)
    # Word2Vec param init: uniform(-0.5/embed_size, 0.5/embed_size), padding row zeroed
    bound = 0.5 / EMBED_SIZE
    weight = jax.random.uniform(k_w, (VOCAB_SIZE, EMBED_SIZE), dtype=jnp.float32, minval=-bound, maxval=bound)
    weight = weight.at[PADDING_IDX].set(0.0)
    return {"idx": idx, "weight": weight}

def reference(idx, weight):
    # forward -> forward_vec -> idx2vec(idx): embedding gather
    return jnp.take(weight, idx, axis=0)

if __name__ == "__main__":
    import jax
    _d = setup_inputs()
    print(jax.jit(kernel)(*tuple(_d.values())))

</pallas_src>

<mosaic_0001>
#map = affine_map<(d0, d1) -> (0, 0)>
module attributes {stable_mosaic.version = 14 : i64} {
  func.func @_body(%arg0: i32, %arg1: i32, %arg2: memref<6400x128xi32, #tpu.memory_space<hbm>>, %arg3: memref<1000000x128xf32, #tpu.memory_space<hbm>>, %arg4: memref<819200x128xf32, #tpu.memory_space<hbm>>, %arg5: memref<5x128xi32, #tpu.memory_space<vmem>>, %arg6: memref<5x128x128xf32, #tpu.memory_space<vmem>>, %arg7: memref<!tpu.dma_semaphore, #tpu.memory_space<semaphore_mem>>, %arg8: memref<!tpu.dma_semaphore, #tpu.memory_space<semaphore_mem>>, %arg9: memref<!tpu.dma_semaphore, #tpu.memory_space<semaphore_mem>>) attributes {dimension_semantics = [#tpu.dimension_semantics<core_parallel>, #tpu.dimension_semantics<subcore_parallel>], iteration_bounds = array<i64: 2, 16>, scalar_prefetch = 0 : i64, scratch_operands = 5 : i64, tpu.core_type = #tpu.core_type<sc_vector_subcore>, window_params = [{transform_indices = #map}, {transform_indices = #map}, {transform_indices = #map}]} {
    %mul3A = arith.constant 2 : i32
    %mul3A_0 = arith.muli %arg1, %mul3A : i32
    %add3A = arith.addi %mul3A_0, %arg0 : i32
    %mul3A_1 = arith.constant 200 : i32
    %mul3A_2 = arith.muli %add3A, %mul3A_1 : i32
    %add3A_3 = arith.constant 0 : i32
    %add3A_4 = arith.addi %mul3A_2, %add3A_3 : i32
    %dma_start3A = arith.constant 0 : i32
    %dma_start3A_5 = arith.constant 0 : i32
    %dma_start3A_6 = tpu.memref_slice %arg5[%dma_start3A, %dma_start3A_5] : memref<5x128xi32, #tpu.memory_space<vmem>> -> memref<1x128xi32, #tpu.memory_space<vmem>>
    %dma_start3A_7 = tpu.memref_squeeze %dma_start3A_6 : memref<1x128xi32, #tpu.memory_space<vmem>> -> memref<128xi32, #tpu.memory_space<vmem>>
    %dma_start3A_8 = arith.constant 0 : i32
    %dma_start3A_9 = tpu.memref_slice %arg2[%add3A_4, %dma_start3A_8] : memref<6400x128xi32, #tpu.memory_space<hbm>> -> memref<1x128xi32, #tpu.memory_space<hbm>>
    %dma_start3A_10 = tpu.memref_squeeze %dma_start3A_9 : memref<1x128xi32, #tpu.memory_space<hbm>> -> memref<128xi32, #tpu.memory_space<hbm>>
    %dma_start3A_11 = arith.constant 0 : i32
    %dma_start3A_12 = tpu.memref_slice %arg5[%dma_start3A, %dma_start3A_11] : memref<5x128xi32, #tpu.memory_space<vmem>> -> memref<1x128xi32, #tpu.memory_space<vmem>>
    %dma_start3A_13 = tpu.memref_squeeze %dma_start3A_12 : memref<1x128xi32, #tpu.memory_space<vmem>> -> memref<128xi32, #tpu.memory_space<vmem>>
    %dma_start3A_14 = arith.constant 0 : i32
    %dma_start3A_15 = tpu.memref_slice %arg2[%add3A_4, %dma_start3A_14] : memref<6400x128xi32, #tpu.memory_space<hbm>> -> memref<1x128xi32, #tpu.memory_space<hbm>>
    %dma_start3A_16 = tpu.memref_squeeze %dma_start3A_15 : memref<1x128xi32, #tpu.memory_space<hbm>> -> memref<128xi32, #tpu.memory_space<hbm>>
    tpu.enqueue_dma source(%dma_start3A_16 : memref<128xi32, #tpu.memory_space<hbm>>) target(%dma_start3A_13 : memref<128xi32, #tpu.memory_space<vmem>>) target_semaphore(%arg7 : memref<!tpu.dma_semaphore, #tpu.memory_space<semaphore_mem>>)
    %add3A_17 = arith.constant 1 : i32
    %add3A_18 = arith.addi %mul3A_2, %add3A_17 : i32
    %dma_start3A_19 = arith.constant 1 : i32
    %dma_start3A_20 = arith.constant 0 : i32
    %dma_start3A_21 = tpu.memref_slice %arg5[%dma_start3A_19, %dma_start3A_20] : memref<5x128xi32, #tpu.memory_space<vmem>> -> memref<1x128xi32, #tpu.memory_space<vmem>>
    %dma_start3A_22 = tpu.memref_squeeze %dma_start3A_21 : memref<1x128xi32, #tpu.memory_space<vmem>> -> memref<128xi32, #tpu.memory_space<vmem>>
    %dma_start3A_23 = arith.constant 0 : i32
    %dma_start3A_24 = tpu.memref_slice %arg2[%add3A_18, %dma_start3A_23] : memref<6400x128xi32, #tpu.memory_space<hbm>> -> memref<1x128xi32, #tpu.memory_space<hbm>>
    %dma_start3A_25 = tpu.memref_squeeze %dma_start3A_24 : memref<1x128xi32, #tpu.memory_space<hbm>> -> memref<128xi32, #tpu.memory_space<hbm>>
    %dma_start3A_26 = arith.constant 0 : i32
    %dma_start3A_27 = tpu.memref_slice %arg5[%dma_start3A_19, %dma_start3A_26] : memref<5x128xi32, #tpu.memory_space<vmem>> -> memref<1x128xi32, #tpu.memory_space<vmem>>
    %dma_start3A_28 = tpu.memref_squeeze %dma_start3A_27 : memref<1x128xi32, #tpu.memory_space<vmem>> -> memref<128xi32, #tpu.memory_space<vmem>>
    %dma_start3A_29 = arith.constant 0 : i32
    %dma_start3A_30 = tpu.memref_slice %arg2[%add3A_18, %dma_start3A_29] : memref<6400x128xi32, #tpu.memory_space<hbm>> -> memref<1x128xi32, #tpu.memory_space<hbm>>
    %dma_start3A_31 = tpu.memref_squeeze %dma_start3A_30 : memref<1x128xi32, #tpu.memory_space<hbm>> -> memref<128xi32, #tpu.memory_space<hbm>>
    tpu.enqueue_dma source(%dma_start3A_31 : memref<128xi32, #tpu.memory_space<hbm>>) target(%dma_start3A_28 : memref<128xi32, #tpu.memory_space<vmem>>) target_semaphore(%arg7 : memref<!tpu.dma_semaphore, #tpu.memory_space<semaphore_mem>>)
    %add3A_32 = arith.constant 2 : i32
    %add3A_33 = arith.addi %mul3A_2, %add3A_32 : i32
    %dma_start3A_34 = arith.constant 2 : i32
    %dma_start3A_35 = arith.constant 0 : i32
    %dma_start3A_36 = tpu.memref_slice %arg5[%dma_start3A_34, %dma_start3A_35] : memref<5x128xi32, #tpu.memory_space<vmem>> -> memref<1x128xi32, #tpu.memory_space<vmem>>
    %dma_start3A_37 = tpu.memref_squeeze %dma_start3A_36 : memref<1x128xi32, #tpu.memory_space<vmem>> -> memref<128xi32, #tpu.memory_space<vmem>>
    %dma_start3A_38 = arith.constant 0 : i32
    %dma_start3A_39 = tpu.memref_slice %arg2[%add3A_33, %dma_start3A_38] : memref<6400x128xi32, #tpu.memory_space<hbm>> -> memref<1x128xi32, #tpu.memory_space<hbm>>
    %dma_start3A_40 = tpu.memref_squeeze %dma_start3A_39 : memref<1x128xi32, #tpu.memory_space<hbm>> -> memref<128xi32, #tpu.memory_space<hbm>>
    %dma_start3A_41 = arith.constant 0 : i32
    %dma_start3A_42 = tpu.memref_slice %arg5[%dma_start3A_34, %dma_start3A_41] : memref<5x128xi32, #tpu.memory_space<vmem>> -> memref<1x128xi32, #tpu.memory_space<vmem>>
    %dma_start3A_43 = tpu.memref_squeeze %dma_start3A_42 : memref<1x128xi32, #tpu.memory_space<vmem>> -> memref<128xi32, #tpu.memory_space<vmem>>
    %dma_start3A_44 = arith.constant 0 : i32
    %dma_start3A_45 = tpu.memref_slice %arg2[%add3A_33, %dma_start3A_44] : memref<6400x128xi32, #tpu.memory_space<hbm>> -> memref<1x128xi32, #tpu.memory_space<hbm>>
    %dma_start3A_46 = tpu.memref_squeeze %dma_start3A_45 : memref<1x128xi32, #tpu.memory_space<hbm>> -> memref<128xi32, #tpu.memory_space<hbm>>
    tpu.enqueue_dma source(%dma_start3A_46 : memref<128xi32, #tpu.memory_space<hbm>>) target(%dma_start3A_43 : memref<128xi32, #tpu.memory_space<vmem>>) target_semaphore(%arg7 : memref<!tpu.dma_semaphore, #tpu.memory_space<semaphore_mem>>)
    %add3A_47 = arith.constant 3 : i32
    %add3A_48 = arith.addi %mul3A_2, %add3A_47 : i32
    %dma_start3A_49 = arith.constant 3 : i32
    %dma_start3A_50 = arith.constant 0 : i32
    %dma_start3A_51 = tpu.memref_slice %arg5[%dma_start3A_49, %dma_start3A_50] : memref<5x128xi32, #tpu.memory_space<vmem>> -> memref<1x128xi32, #tpu.memory_space<vmem>>
    %dma_start3A_52 = tpu.memref_squeeze %dma_start3A_51 : memref<1x128xi32, #tpu.memory_space<vmem>> -> memref<128xi32, #tpu.memory_space<vmem>>
    %dma_start3A_53 = arith.constant 0 : i32
    %dma_start3A_54 = tpu.memref_slice %arg2[%add3A_48, %dma_start3A_53] : memref<6400x128xi32, #tpu.memory_space<hbm>> -> memref<1x128xi32, #tpu.memory_space<hbm>>
    %dma_start3A_55 = tpu.memref_squeeze %dma_start3A_54 : memref<1x128xi32, #tpu.memory_space<hbm>> -> memref<128xi32, #tpu.memory_space<hbm>>
    %dma_start3A_56 = arith.constant 0 : i32
    %dma_start3A_57 = tpu.memref_slice %arg5[%dma_start3A_49, %dma_start3A_56] : memref<5x128xi32, #tpu.memory_space<vmem>> -> memref<1x128xi32, #tpu.memory_space<vmem>>
    %dma_start3A_58 = tpu.memref_squeeze %dma_start3A_57 : memref<1x128xi32, #tpu.memory_space<vmem>> -> memref<128xi32, #tpu.memory_space<vmem>>
    %dma_start3A_59 = arith.constant 0 : i32
    %dma_start3A_60 = tpu.memref_slice %arg2[%add3A_48, %dma_start3A_59] : memref<6400x128xi32, #tpu.memory_space<hbm>> -> memref<1x128xi32, #tpu.memory_space<hbm>>
    %dma_start3A_61 = tpu.memref_squeeze %dma_start3A_60 : memref<1x128xi32, #tpu.memory_space<hbm>> -> memref<128xi32, #tpu.memory_space<hbm>>
    tpu.enqueue_dma source(%dma_start3A_61 : memref<128xi32, #tpu.memory_space<hbm>>) target(%dma_start3A_58 : memref<128xi32, #tpu.memory_space<vmem>>) target_semaphore(%arg7 : memref<!tpu.dma_semaphore, #tpu.memory_space<semaphore_mem>>)
    %add3A_62 = arith.constant 4 : i32
    %add3A_63 = arith.addi %mul3A_2, %add3A_62 : i32
    %dma_start3A_64 = arith.constant 4 : i32
    %dma_start3A_65 = arith.constant 0 : i32
    %dma_start3A_66 = tpu.memref_slice %arg5[%dma_start3A_64, %dma_start3A_65] : memref<5x128xi32, #tpu.memory_space<vmem>> -> memref<1x128xi32, #tpu.memory_space<vmem>>
    %dma_start3A_67 = tpu.memref_squeeze %dma_start3A_66 : memref<1x128xi32, #tpu.memory_space<vmem>> -> memref<128xi32, #tpu.memory_space<vmem>>
    %dma_start3A_68 = arith.constant 0 : i32
    %dma_start3A_69 = tpu.memref_slice %arg2[%add3A_63, %dma_start3A_68] : memref<6400x128xi32, #tpu.memory_space<hbm>> -> memref<1x128xi32, #tpu.memory_space<hbm>>
    %dma_start3A_70 = tpu.memref_squeeze %dma_start3A_69 : memref<1x128xi32, #tpu.memory_space<hbm>> -> memref<128xi32, #tpu.memory_space<hbm>>
    %dma_start3A_71 = arith.constant 0 : i32
    %dma_start3A_72 = tpu.memref_slice %arg5[%dma_start3A_64, %dma_start3A_71] : memref<5x128xi32, #tpu.memory_space<vmem>> -> memref<1x128xi32, #tpu.memory_space<vmem>>
    %dma_start3A_73 = tpu.memref_squeeze %dma_start3A_72 : memref<1x128xi32, #tpu.memory_space<vmem>> -> memref<128xi32, #tpu.memory_space<vmem>>
    %dma_start3A_74 = arith.constant 0 : i32
    %dma_start3A_75 = tpu.memref_slice %arg2[%add3A_63, %dma_start3A_74] : memref<6400x128xi32, #tpu.memory_space<hbm>> -> memref<1x128xi32, #tpu.memory_space<hbm>>
    %dma_start3A_76 = tpu.memref_squeeze %dma_start3A_75 : memref<1x128xi32, #tpu.memory_space<hbm>> -> memref<128xi32, #tpu.memory_space<hbm>>
    tpu.enqueue_dma source(%dma_start3A_76 : memref<128xi32, #tpu.memory_space<hbm>>) target(%dma_start3A_73 : memref<128xi32, #tpu.memory_space<vmem>>) target_semaphore(%arg7 : memref<!tpu.dma_semaphore, #tpu.memory_space<semaphore_mem>>)
    %add3A_77 = arith.constant 0 : i32
    %add3A_78 = arith.addi %mul3A_2, %add3A_77 : i32
    %dma_wait3A = arith.constant 0 : i32
    %dma_wait3A_79 = arith.constant 0 : i32
    %dma_wait3A_80 = tpu.memref_slice %arg5[%dma_wait3A, %dma_wait3A_79] : memref<5x128xi32, #tpu.memory_space<vmem>> -> memref<1x128xi32, #tpu.memory_space<vmem>>
    %dma_wait3A_81 = tpu.memref_squeeze %dma_wait3A_80 : memref<1x128xi32, #tpu.memory_space<vmem>> -> memref<128xi32, #tpu.memory_space<vmem>>
    %dma_wait3A_82 = arith.constant 0 : i32
    %dma_wait3A_83 = tpu.memref_slice %arg2[%add3A_78, %dma_wait3A_82] : memref<6400x128xi32, #tpu.memory_space<hbm>> -> memref<1x128xi32, #tpu.memory_space<hbm>>
    %dma_wait3A_84 = tpu.memref_squeeze %dma_wait3A_83 : memref<1x128xi32, #tpu.memory_space<hbm>> -> memref<128xi32, #tpu.memory_space<hbm>>
    %dma_wait3A_85 = arith.constant 0 : i32
    %dma_wait3A_86 = tpu.memref_slice %arg5[%dma_wait3A, %dma_wait3A_85] : memref<5x128xi32, #tpu.memory_space<vmem>> -> memref<1x128xi32, #tpu.memory_space<vmem>>
    %dma_wait3A_87 = tpu.memref_squeeze %dma_wait3A_86 : memref<1x128xi32, #tpu.memory_space<vmem>> -> memref<128xi32, #tpu.memory_space<vmem>>
    %dma_wait3A_88 = arith.constant 0 : i32
    %dma_wait3A_89 = tpu.memref_slice %arg2[%add3A_78, %dma_wait3A_88] : memref<6400x128xi32, #tpu.memory_space<hbm>> -> memref<1x128xi32, #tpu.memory_space<hbm>>
    %dma_wait3A_90 = tpu.memref_squeeze %dma_wait3A_89 : memref<1x128xi32, #tpu.memory_space<hbm>> -> memref<128xi32, #tpu.memory_space<hbm>>
    tpu.wait_dma2 semaphore(%arg7 : memref<!tpu.dma_semaphore, #tpu.memory_space<semaphore_mem>>) src(%dma_wait3A_90 : memref<128xi32, #tpu.memory_space<hbm>>) dst(%dma_wait3A_87 : memref<128xi32, #tpu.memory_space<vmem>>)
    %add3A_91 = arith.constant 1 : i32
    %add3A_92 = arith.addi %mul3A_2, %add3A_91 : i32
    %dma_wait3A_93 = arith.constant 1 : i32
    %dma_wait3A_94 = arith.constant 0 : i32
    %dma_wait3A_95 = tpu.memref_slice %arg5[%dma_wait3A_93, %dma_wait3A_94] : memref<5x128xi32, #tpu.memory_space<vmem>> -> memref<1x128xi32, #tpu.memory_space<vmem>>
    %dma_wait3A_96 = tpu.memref_squeeze %dma_wait3A_95 : memref<1x128xi32, #tpu.memory_space<vmem>> -> memref<128xi32, #tpu.memory_space<vmem>>
    %dma_wait3A_97 = arith.constant 0 : i32
    %dma_wait3A_98 = tpu.memref_slice %arg2[%add3A_92, %dma_wait3A_97] : memref<6400x128xi32, #tpu.memory_space<hbm>> -> memref<1x128xi32, #tpu.memory_space<hbm>>
    %dma_wait3A_99 = tpu.memref_squeeze %dma_wait3A_98 : memref<1x128xi32, #tpu.memory_space<hbm>> -> memref<128xi32, #tpu.memory_space<hbm>>
    %dma_wait3A_100 = arith.constant 0 : i32
    %dma_wait3A_101 = tpu.memref_slice %arg5[%dma_wait3A_93, %dma_wait3A_100] : memref<5x128xi32, #tpu.memory_space<vmem>> -> memref<1x128xi32, #tpu.memory_space<vmem>>
    %dma_wait3A_102 = tpu.memref_squeeze %dma_wait3A_101 : memref<1x128xi32, #tpu.memory_space<vmem>> -> memref<128xi32, #tpu.memory_space<vmem>>
    %dma_wait3A_103 = arith.constant 0 : i32
    %dma_wait3A_104 = tpu.memref_slice %arg2[%add3A_92, %dma_wait3A_103] : memref<6400x128xi32, #tpu.memory_space<hbm>> -> memref<1x128xi32, #tpu.memory_space<hbm>>
    %dma_wait3A_105 = tpu.memref_squeeze %dma_wait3A_104 : memref<1x128xi32, #tpu.memory_space<hbm>> -> memref<128xi32, #tpu.memory_space<hbm>>
    tpu.wait_dma2 semaphore(%arg7 : memref<!tpu.dma_semaphore, #tpu.memory_space<semaphore_mem>>) src(%dma_wait3A_105 : memref<128xi32, #tpu.memory_space<hbm>>) dst(%dma_wait3A_102 : memref<128xi32, #tpu.memory_space<vmem>>)
    %add3A_106 = arith.constant 2 : i32
    %add3A_107 = arith.addi %mul3A_2, %add3A_106 : i32
    %dma_wait3A_108 = arith.constant 2 : i32
    %dma_wait3A_109 = arith.constant 0 : i32
    %dma_wait3A_110 = tpu.memref_slice %arg5[%dma_wait3A_108, %dma_wait3A_109] : memref<5x128xi32, #tpu.memory_space<vmem>> -> memref<1x128xi32, #tpu.memory_space<vmem>>
    %dma_wait3A_111 = tpu.memref_squeeze %dma_wait3A_110 : memref<1x128xi32, #tpu.memory_space<vmem>> -> memref<128xi32, #tpu.memory_space<vmem>>
    %dma_wait3A_112 = arith.constant 0 : i32
    %dma_wait3A_113 = tpu.memref_slice %arg2[%add3A_107, %dma_wait3A_112] : memref<6400x128xi32, #tpu.memory_space<hbm>> -> memref<1x128xi32, #tpu.memory_space<hbm>>
    %dma_wait3A_114 = tpu.memref_squeeze %dma_wait3A_113 : memref<1x128xi32, #tpu.memory_space<hbm>> -> memref<128xi32, #tpu.memory_space<hbm>>
    %dma_wait3A_115 = arith.constant 0 : i32
    %dma_wait3A_116 = tpu.memref_slice %arg5[%dma_wait3A_108, %dma_wait3A_115] : memref<5x128xi32, #tpu.memory_space<vmem>> -> memref<1x128xi32, #tpu.memory_space<vmem>>
    %dma_wait3A_117 = tpu.memref_squeeze %dma_wait3A_116 : memref<1x128xi32, #tpu.memory_space<vmem>> -> memref<128xi32, #tpu.memory_space<vmem>>
    %dma_wait3A_118 = arith.constant 0 : i32
    %dma_wait3A_119 = tpu.memref_slice %arg2[%add3A_107, %dma_wait3A_118] : memref<6400x128xi32, #tpu.memory_space<hbm>> -> memref<1x128xi32, #tpu.memory_space<hbm>>
    %dma_wait3A_120 = tpu.memref_squeeze %dma_wait3A_119 : memref<1x128xi32, #tpu.memory_space<hbm>> -> memref<128xi32, #tpu.memory_space<hbm>>
    tpu.wait_dma2 semaphore(%arg7 : memref<!tpu.dma_semaphore, #tpu.memory_space<semaphore_mem>>) src(%dma_wait3A_120 : memref<128xi32, #tpu.memory_space<hbm>>) dst(%dma_wait3A_117 : memref<128xi32, #tpu.memory_space<vmem>>)
    %add3A_121 = arith.constant 3 : i32
    %add3A_122 = arith.addi %mul3A_2, %add3A_121 : i32
    %dma_wait3A_123 = arith.constant 3 : i32
    %dma_wait3A_124 = arith.constant 0 : i32
    %dma_wait3A_125 = tpu.memref_slice %arg5[%dma_wait3A_123, %dma_wait3A_124] : memref<5x128xi32, #tpu.memory_space<vmem>> -> memref<1x128xi32, #tpu.memory_space<vmem>>
    %dma_wait3A_126 = tpu.memref_squeeze %dma_wait3A_125 : memref<1x128xi32, #tpu.memory_space<vmem>> -> memref<128xi32, #tpu.memory_space<vmem>>
    %dma_wait3A_127 = arith.constant 0 : i32
    %dma_wait3A_128 = tpu.memref_slice %arg2[%add3A_122, %dma_wait3A_127] : memref<6400x128xi32, #tpu.memory_space<hbm>> -> memref<1x128xi32, #tpu.memory_space<hbm>>
    %dma_wait3A_129 = tpu.memref_squeeze %dma_wait3A_128 : memref<1x128xi32, #tpu.memory_space<hbm>> -> memref<128xi32, #tpu.memory_space<hbm>>
    %dma_wait3A_130 = arith.constant 0 : i32
    %dma_wait3A_131 = tpu.memref_slice %arg5[%dma_wait3A_123, %dma_wait3A_130] : memref<5x128xi32, #tpu.memory_space<vmem>> -> memref<1x128xi32, #tpu.memory_space<vmem>>
    %dma_wait3A_132 = tpu.memref_squeeze %dma_wait3A_131 : memref<1x128xi32, #tpu.memory_space<vmem>> -> memref<128xi32, #tpu.memory_space<vmem>>
    %dma_wait3A_133 = arith.constant 0 : i32
    %dma_wait3A_134 = tpu.memref_slice %arg2[%add3A_122, %dma_wait3A_133] : memref<6400x128xi32, #tpu.memory_space<hbm>> -> memref<1x128xi32, #tpu.memory_space<hbm>>
    %dma_wait3A_135 = tpu.memref_squeeze %dma_wait3A_134 : memref<1x128xi32, #tpu.memory_space<hbm>> -> memref<128xi32, #tpu.memory_space<hbm>>
    tpu.wait_dma2 semaphore(%arg7 : memref<!tpu.dma_semaphore, #tpu.memory_space<semaphore_mem>>) src(%dma_wait3A_135 : memref<128xi32, #tpu.memory_space<hbm>>) dst(%dma_wait3A_132 : memref<128xi32, #tpu.memory_space<vmem>>)
    %add3A_136 = arith.constant 4 : i32
    %add3A_137 = arith.addi %mul3A_2, %add3A_136 : i32
    %dma_wait3A_138 = arith.constant 4 : i32
    %dma_wait3A_139 = arith.constant 0 : i32
    %dma_wait3A_140 = tpu.memref_slice %arg5[%dma_wait3A_138, %dma_wait3A_139] : memref<5x128xi32, #tpu.memory_space<vmem>> -> memref<1x128xi32, #tpu.memory_space<vmem>>
    %dma_wait3A_141 = tpu.memref_squeeze %dma_wait3A_140 : memref<1x128xi32, #tpu.memory_space<vmem>> -> memref<128xi32, #tpu.memory_space<vmem>>
    %dma_wait3A_142 = arith.constant 0 : i32
    %dma_wait3A_143 = tpu.memref_slice %arg2[%add3A_137, %dma_wait3A_142] : memref<6400x128xi32, #tpu.memory_space<hbm>> -> memref<1x128xi32, #tpu.memory_space<hbm>>
    %dma_wait3A_144 = tpu.memref_squeeze %dma_wait3A_143 : memref<1x128xi32, #tpu.memory_space<hbm>> -> memref<128xi32, #tpu.memory_space<hbm>>
    %dma_wait3A_145 = arith.constant 0 : i32
    %dma_wait3A_146 = tpu.memref_slice %arg5[%dma_wait3A_138, %dma_wait3A_145] : memref<5x128xi32, #tpu.memory_space<vmem>> -> memref<1x128xi32, #tpu.memory_space<vmem>>
    %dma_wait3A_147 = tpu.memref_squeeze %dma_wait3A_146 : memref<1x128xi32, #tpu.memory_space<vmem>> -> memref<128xi32, #tpu.memory_space<vmem>>
    %dma_wait3A_148 = arith.constant 0 : i32
    %dma_wait3A_149 = tpu.memref_slice %arg2[%add3A_137, %dma_wait3A_148] : memref<6400x128xi32, #tpu.memory_space<hbm>> -> memref<1x128xi32, #tpu.memory_space<hbm>>
    %dma_wait3A_150 = tpu.memref_squeeze %dma_wait3A_149 : memref<1x128xi32, #tpu.memory_space<hbm>> -> memref<128xi32, #tpu.memory_space<hbm>>
    tpu.wait_dma2 semaphore(%arg7 : memref<!tpu.dma_semaphore, #tpu.memory_space<semaphore_mem>>) src(%dma_wait3A_150 : memref<128xi32, #tpu.memory_space<hbm>>) dst(%dma_wait3A_147 : memref<128xi32, #tpu.memory_space<vmem>>)
    %dma_start3A_151 = arith.constant 0 : i32
    %dma_start3A_152 = arith.constant 0 : i32
    %dma_start3A_153 = arith.constant 0 : i32
    %dma_start3A_154 = arith.constant 0 : i32
    %dma_start3A_155 = tpu.memref_slice %arg6[%dma_start3A_152, %dma_start3A_153, %dma_start3A_154] : memref<5x128x128xf32, #tpu.memory_space<vmem>> -> memref<1x128x128xf32, #tpu.memory_space<vmem>>
    %dma_start3A_156 = tpu.memref_squeeze %dma_start3A_155 : memref<1x128x128xf32, #tpu.memory_space<vmem>> -> memref<128x128xf32, #tpu.memory_space<vmem>>
    %dma_start3A_157 = arith.constant 0 : i32
    %dma_start3A_158 = tpu.memref_slice %arg5[%dma_start3A_151, %dma_start3A_157] : memref<5x128xi32, #tpu.memory_space<vmem>> -> memref<1x128xi32, #tpu.memory_space<vmem>>
    %dma_start3A_159 = tpu.memref_squeeze %dma_start3A_158 : memref<1x128xi32, #tpu.memory_space<vmem>> -> memref<128xi32, #tpu.memory_space<vmem>>
    %dma_start3A_160 = arith.constant 0 : i32
    %dma_start3A_161 = arith.constant 0 : i32
    %dma_start3A_162 = tpu.memref_slice %arg3[%dma_start3A_160, %dma_start3A_161] : memref<1000000x128xf32, #tpu.memory_space<hbm>> -> memref<1000000x128xf32, #tpu.memory_space<hbm>>
    tpu.enqueue_indirect_dma source(%dma_start3A_162 : memref<1000000x128xf32, #tpu.memory_space<hbm>>) target(%dma_start3A_156 : memref<128x128xf32, #tpu.memory_space<vmem>>) offsets(%dma_start3A_159 : memref<128xi32, #tpu.memory_space<vmem>>) semaphore(%arg8 : memref<!tpu.dma_semaphore, #tpu.memory_space<semaphore_mem>>)
    %scan3A = arith.constant 0 : i32
    %scan3A_163 = arith.constant 0 : i32
    %scan3A_164 = arith.constant 40 : i32
    %scan3A_165 = arith.addi %scan3A_163, %scan3A_164 : i32
    %scan3A_166 = arith.constant 1 : i32
    scf.for %scan3A_262 = %scan3A_163 to %scan3A_165 step %scan3A_166  : i32 {
      %mul3A_263 = arith.constant 5 : i32
      %mul3A_264 = arith.muli %scan3A_262, %mul3A_263 : i32
      %add3A_265 = arith.constant 0 : i32
      %add3A_266 = arith.addi %mul3A_264, %add3A_265 : i32
      %ge3A = arith.constant 4 : i32
      %ge3A_267 = arith.cmpi sge, %add3A_266, %ge3A : i32
      %add3A_268 = arith.constant 1 : i32
      %add3A_269 = arith.addi %add3A_266, %add3A_268 : i32
      %lt3A = arith.constant 200 : i32
      %lt3A_270 = arith.cmpi slt, %add3A_269, %lt3A : i32
      %and3A_271 = arith.andi %ge3A_267, %lt3A_270 : i1
      %convert_element_type3A = arith.extui %and3A_271 : i1 to i32
      %cond3A = arith.constant 0 : i32
      %cond3A_272 = arith.cmpi ne, %convert_element_type3A, %cond3A : i32
      scf.if %cond3A_272 {
        %add3A_599 = arith.constant 1 : i32
        %add3A_600 = arith.addi %add3A_266, %add3A_599 : i32
        %add3A_601 = arith.constant 1 : i32
        %add3A_602 = arith.addi %add3A_266, %add3A_601 : i32
        %jit3A = arith.constant 5 : i32
        %eq3A = arith.constant 0 : i32
        %eq3A_603 = arith.cmpi eq, %jit3A, %eq3A : i32
        %jit3A_604 = arith.constant 1 : i32
        %select_n3A = arith.select %eq3A_603, %jit3A_604, %jit3A : i32
        %rem3A = arith.remsi %add3A_602, %select_n3A : i32
        %ne3A = arith.constant 0 : i32
        %ne3A_605 = arith.cmpi ne, %rem3A, %ne3A : i32
        %lt3A_606 = arith.constant 0 : i32
        %lt3A_607 = arith.cmpi slt, %rem3A, %lt3A_606 : i32
        %lt3A_608 = arith.constant 0 : i32
        %lt3A_609 = arith.cmpi slt, %select_n3A, %lt3A_608 : i32
        %ne3A_610 = arith.xori %lt3A_607, %lt3A_609 : i1
        %and3A_611 = arith.andi %ne3A_610, %ne3A_605 : i1
        %add3A_612 = arith.addi %rem3A, %select_n3A : i32
        %select_n3A_613 = arith.select %and3A_611, %add3A_612, %rem3A : i32
        %add3A_614 = arith.addi %mul3A_2, %add3A_600 : i32
        %dma_wait3A_615 = arith.constant 0 : i32
        %dma_wait3A_616 = tpu.memref_slice %arg5[%select_n3A_613, %dma_wait3A_615] : memref<5x128xi32, #tpu.memory_space<vmem>> -> memref<1x128xi32, #tpu.memory_space<vmem>>
        %dma_wait3A_617 = tpu.memref_squeeze %dma_wait3A_616 : memref<1x128xi32, #tpu.memory_space<vmem>> -> memref<128xi32, #tpu.memory_space<vmem>>
        %dma_wait3A_618 = arith.constant 0 : i32
        %dma_wait3A_619 = tpu.memref_slice %arg2[%add3A_614, %dma_wait3A_618] : memref<6400x128xi32, #tpu.memory_space<hbm>> -> memref<1x128xi32, #tpu.memory_space<hbm>>
        %dma_wait3A_620 = tpu.memref_squeeze %dma_wait3A_619 : memref<1x128xi32, #tpu.memory_space<hbm>> -> memref<128xi32, #tpu.memory_space<hbm>>
        %dma_wait3A_621 = arith.constant 0 : i32
        %dma_wait3A_622 = tpu.memref_slice %arg5[%select_n3A_613, %dma_wait3A_621] : memref<5x128xi32, #tpu.memory_space<vmem>> -> memref<1x128xi32, #tpu.memory_space<vmem>>
        %dma_wait3A_623 = tpu.memref_squeeze %dma_wait3A_622 : memref<1x128xi32, #tpu.memory_space<vmem>> -> memref<128xi32, #tpu.memory_space<vmem>>
        %dma_wait3A_624 = arith.constant 0 : i32
        %dma_wait3A_625 = tpu.memref_slice %arg2[%add3A_614, %dma_wait3A_624] : memref<6400x128xi32, #tpu.memory_space<hbm>> -> memref<1x128xi32, #tpu.memory_space<hbm>>
        %dma_wait3A_626 = tpu.memref_squeeze %dma_wait3A_625 : memref<1x128xi32, #tpu.memory_space<hbm>> -> memref<128xi32, #tpu.memory_space<hbm>>
        tpu.wait_dma2 semaphore(%arg7 : memref<!tpu.dma_semaphore, #tpu.memory_space<semaphore_mem>>) src(%dma_wait3A_626 : memref<128xi32, #tpu.memory_space<hbm>>) dst(%dma_wait3A_623 : memref<128xi32, #tpu.memory_space<vmem>>)
      } else {
      }
      %dma_wait3A_273 = arith.constant 0 : i32
      %dma_wait3A_274 = arith.constant 0 : i32
      %dma_wait3A_275 = arith.constant 0 : i32
      %dma_wait3A_276 = arith.constant 0 : i32
      %dma_wait3A_277 = tpu.memref_slice %arg6[%dma_wait3A_274, %dma_wait3A_275, %dma_wait3A_276] : memref<5x128x128xf32, #tpu.memory_space<vmem>> -> memref<1x128x128xf32, #tpu.memory_space<vmem>>
      %dma_wait3A_278 = tpu.memref_squeeze %dma_wait3A_277 : memref<1x128x128xf32, #tpu.memory_space<vmem>> -> memref<128x128xf32, #tpu.memory_space<vmem>>
      %dma_wait3A_279 = arith.constant 0 : i32
      %dma_wait3A_280 = tpu.memref_slice %arg5[%dma_wait3A_273, %dma_wait3A_279] : memref<5x128xi32, #tpu.memory_space<vmem>> -> memref<1x128xi32, #tpu.memory_space<vmem>>
      %dma_wait3A_281 = tpu.memref_squeeze %dma_wait3A_280 : memref<1x128xi32, #tpu.memory_space<vmem>> -> memref<128xi32, #tpu.memory_space<vmem>>
      %dma_wait3A_282 = arith.constant 0 : i32
      %dma_wait3A_283 = arith.constant 0 : i32
      %dma_wait3A_284 = tpu.memref_slice %arg3[%dma_wait3A_282, %dma_wait3A_283] : memref<1000000x128xf32, #tpu.memory_space<hbm>> -> memref<1000000x128xf32, #tpu.memory_space<hbm>>
      tpu.wait_indirect_dma semaphore(%arg8 : memref<!tpu.dma_semaphore, #tpu.memory_space<semaphore_mem>>) src(%dma_wait3A_284 : memref<1000000x128xf32, #tpu.memory_space<hbm>>) dst(%dma_wait3A_278 : memref<128x128xf32, #tpu.memory_space<vmem>>)
      %add3A_285 = arith.addi %mul3A_2, %add3A_266 : i32
      %shift_right_arithmetic3A_286 = arith.constant 7 : i32
      %shift_right_arithmetic3A_287 = arith.shrsi %add3A_285, %shift_right_arithmetic3A_286 : i32
      %mul3A_288 = arith.constant 16384 : i32
      %mul3A_289 = arith.muli %shift_right_arithmetic3A_287, %mul3A_288 : i32
      %and3A_290 = arith.constant 127 : i32
      %and3A_291 = arith.andi %add3A_285, %and3A_290 : i32
      %mul3A_292 = arith.constant 128 : i32
      %mul3A_293 = arith.muli %and3A_291, %mul3A_292 : i32
      %add3A_294 = arith.addi %mul3A_289, %mul3A_293 : i32
      %dma_start3A_295 = arith.constant 0 : i32
      %dma_start3A_296 = arith.constant 0 : i32
      %dma_start3A_297 = arith.constant 0 : i32
      %dma_start3A_298 = tpu.memref_slice %arg6[%dma_start3A_295, %dma_start3A_296, %dma_start3A_297] : memref<5x128x128xf32, #tpu.memory_space<vmem>> -> memref<1x128x128xf32, #tpu.memory_space<vmem>>
      %dma_start3A_299 = tpu.memref_squeeze %dma_start3A_298 : memref<1x128x128xf32, #tpu.memory_space<vmem>> -> memref<128x128xf32, #tpu.memory_space<vmem>>
      %dma_start3A_300 = arith.constant 0 : i32
      %dma_start3A_301 = tpu.memref_slice %arg4[%add3A_294, %dma_start3A_300] : memref<819200x128xf32, #tpu.memory_space<hbm>> -> memref<128x128xf32, #tpu.memory_space<hbm>>
      %dma_start3A_302 = arith.constant 0 : i32
      %dma_start3A_303 = tpu.memref_slice %arg4[%add3A_294, %dma_start3A_302] : memref<819200x128xf32, #tpu.memory_space<hbm>> -> memref<128x128xf32, #tpu.memory_space<hbm>>
      %dma_start3A_304 = arith.constant 0 : i32
      %dma_start3A_305 = arith.constant 0 : i32
      %dma_start3A_306 = tpu.memref_slice %arg6[%dma_start3A_295, %dma_start3A_304, %dma_start3A_305] : memref<5x128x128xf32, #tpu.memory_space<vmem>> -> memref<1x128x128xf32, #tpu.memory_space<vmem>>
      %dma_start3A_307 = tpu.memref_squeeze %dma_start3A_306 : memref<1x128x128xf32, #tpu.memory_space<vmem>> -> memref<128x128xf32, #tpu.memory_space<vmem>>
      tpu.enqueue_dma source(%dma_start3A_307 : memref<128x128xf32, #tpu.memory_space<vmem>>) target(%dma_start3A_303 : memref<128x128xf32, #tpu.memory_space<hbm>>) target_semaphore(%arg9 : memref<!tpu.dma_semaphore, #tpu.memory_space<semaphore_mem>>)
      %ge3A_308 = arith.constant 4 : i32
      %ge3A_309 = arith.cmpi sge, %add3A_266, %ge3A_308 : i32
      %convert_element_type3A_310 = arith.extui %ge3A_309 : i1 to i32
      %cond3A_311 = arith.constant 0 : i32
      %cond3A_312 = arith.cmpi ne, %convert_element_type3A_310, %cond3A_311 : i32
      scf.if %cond3A_312 {
        %sub3A = arith.constant 4 : i32
        %sub3A_599 = arith.subi %add3A_266, %sub3A : i32
        %add3A_600 = arith.constant 1 : i32
        %add3A_601 = arith.addi %add3A_266, %add3A_600 : i32
        %jit3A = arith.constant 5 : i32
        %eq3A = arith.constant 0 : i32
        %eq3A_602 = arith.cmpi eq, %jit3A, %eq3A : i32
        %jit3A_603 = arith.constant 1 : i32
        %select_n3A = arith.select %eq3A_602, %jit3A_603, %jit3A : i32
        %rem3A = arith.remsi %add3A_601, %select_n3A : i32
        %ne3A = arith.constant 0 : i32
        %ne3A_604 = arith.cmpi ne, %rem3A, %ne3A : i32
        %lt3A_605 = arith.constant 0 : i32
        %lt3A_606 = arith.cmpi slt, %rem3A, %lt3A_605 : i32
        %lt3A_607 = arith.constant 0 : i32
        %lt3A_608 = arith.cmpi slt, %select_n3A, %lt3A_607 : i32
        %ne3A_609 = arith.xori %lt3A_606, %lt3A_608 : i1
        %and3A_610 = arith.andi %ne3A_609, %ne3A_604 : i1
        %add3A_611 = arith.addi %rem3A, %select_n3A : i32
        %select_n3A_612 = arith.select %and3A_610, %add3A_611, %rem3A : i32
        %add3A_613 = arith.addi %mul3A_2, %sub3A_599 : i32
        %shift_right_arithmetic3A_614 = arith.constant 7 : i32
        %shift_right_arithmetic3A_615 = arith.shrsi %add3A_613, %shift_right_arithmetic3A_614 : i32
        %mul3A_616 = arith.constant 16384 : i32
        %mul3A_617 = arith.muli %shift_right_arithmetic3A_615, %mul3A_616 : i32
        %and3A_618 = arith.constant 127 : i32
        %and3A_619 = arith.andi %add3A_613, %and3A_618 : i32
        %mul3A_620 = arith.constant 128 : i32
        %mul3A_621 = arith.muli %and3A_619, %mul3A_620 : i32
        %add3A_622 = arith.addi %mul3A_617, %mul3A_621 : i32
        %dma_wait3A_623 = arith.constant 0 : i32
        %dma_wait3A_624 = arith.constant 0 : i32
        %dma_wait3A_625 = tpu.memref_slice %arg6[%select_n3A_612, %dma_wait3A_623, %dma_wait3A_624] : memref<5x128x128xf32, #tpu.memory_space<vmem>> -> memref<1x128x128xf32, #tpu.memory_space<vmem>>
        %dma_wait3A_626 = tpu.memref_squeeze %dma_wait3A_625 : memref<1x128x128xf32, #tpu.memory_space<vmem>> -> memref<128x128xf32, #tpu.memory_space<vmem>>
        %dma_wait3A_627 = arith.constant 0 : i32
        %dma_wait3A_628 = tpu.memref_slice %arg4[%add3A_622, %dma_wait3A_627] : memref<819200x128xf32, #tpu.memory_space<hbm>> -> memref<128x128xf32, #tpu.memory_space<hbm>>
        %dma_wait3A_629 = arith.constant 0 : i32
        %dma_wait3A_630 = tpu.memref_slice %arg4[%add3A_622, %dma_wait3A_629] : memref<819200x128xf32, #tpu.memory_space<hbm>> -> memref<128x128xf32, #tpu.memory_space<hbm>>
        %dma_wait3A_631 = arith.constant 0 : i32
        %dma_wait3A_632 = arith.constant 0 : i32
        %dma_wait3A_633 = tpu.memref_slice %arg6[%select_n3A_612, %dma_wait3A_631, %dma_wait3A_632] : memref<5x128x128xf32, #tpu.memory_space<vmem>> -> memref<1x128x128xf32, #tpu.memory_space<vmem>>
        %dma_wait3A_634 = tpu.memref_squeeze %dma_wait3A_633 : memref<1x128x128xf32, #tpu.memory_space<vmem>> -> memref<128x128xf32, #tpu.memory_space<vmem>>
        tpu.wait_dma2 semaphore(%arg9 : memref<!tpu.dma_semaphore, #tpu.memory_space<semaphore_mem>>) src(%dma_wait3A_634 : memref<128x128xf32, #tpu.memory_space<vmem>>) dst(%dma_wait3A_630 : memref<128x128xf32, #tpu.memory_space<hbm>>)
      } else {
      }
      %add3A_313 = arith.constant 1 : i32
      %add3A_314 = arith.addi %add3A_266, %add3A_313 : i32
      %lt3A_315 = arith.constant 200 : i32
      %lt3A_316 = arith.cmpi slt, %add3A_314, %lt3A_315 : i32
      %convert_element_type3A_317 = arith.extui %lt3A_316 : i1 to i32
      %cond3A_318 = arith.constant 0 : i32
      %cond3A_319 = arith.cmpi ne, %convert_element_type3A_317, %cond3A_318 : i32
      scf.if %cond3A_319 {
        %add3A_599 = arith.constant 1 : i32
        %add3A_600 = arith.addi %add3A_266, %add3A_599 : i32
        %jit3A = arith.constant 5 : i32
        %eq3A = arith.constant 0 : i32
        %eq3A_601 = arith.cmpi eq, %jit3A, %eq3A : i32
        %jit3A_602 = arith.constant 1 : i32
        %select_n3A = arith.select %eq3A_601, %jit3A_602, %jit3A : i32
        %rem3A = arith.remsi %add3A_600, %select_n3A : i32
        %ne3A = arith.constant 0 : i32
        %ne3A_603 = arith.cmpi ne, %rem3A, %ne3A : i32
        %lt3A_604 = arith.constant 0 : i32
        %lt3A_605 = arith.cmpi slt, %rem3A, %lt3A_604 : i32
        %lt3A_606 = arith.constant 0 : i32
        %lt3A_607 = arith.cmpi slt, %select_n3A, %lt3A_606 : i32
        %ne3A_608 = arith.xori %lt3A_605, %lt3A_607 : i1
        %and3A_609 = arith.andi %ne3A_608, %ne3A_603 : i1
        %add3A_610 = arith.addi %rem3A, %select_n3A : i32
        %select_n3A_611 = arith.select %and3A_609, %add3A_610, %rem3A : i32
        %dma_start3A_612 = arith.constant 0 : i32
        %dma_start3A_613 = arith.constant 0 : i32
        %dma_start3A_614 = tpu.memref_slice %arg6[%select_n3A_611, %dma_start3A_612, %dma_start3A_613] : memref<5x128x128xf32, #tpu.memory_space<vmem>> -> memref<1x128x128xf32, #tpu.memory_space<vmem>>
        %dma_start3A_615 = tpu.memref_squeeze %dma_start3A_614 : memref<1x128x128xf32, #tpu.memory_space<vmem>> -> memref<128x128xf32, #tpu.memory_space<vmem>>
        %dma_start3A_616 = arith.constant 0 : i32
        %dma_start3A_617 = tpu.memref_slice %arg5[%select_n3A_611, %dma_start3A_616] : memref<5x128xi32, #tpu.memory_space<vmem>> -> memref<1x128xi32, #tpu.memory_space<vmem>>
        %dma_start3A_618 = tpu.memref_squeeze %dma_start3A_617 : memref<1x128xi32, #tpu.memory_space<vmem>> -> memref<128xi32, #tpu.memory_space<vmem>>
        %dma_start3A_619 = arith.constant 0 : i32
        %dma_start3A_620 = arith.constant 0 : i32
        %dma_start3A_621 = tpu.memref_slice %arg3[%dma_start3A_619, %dma_start3A_620] : memref<1000000x128xf32, #tpu.memory_space<hbm>> -> memref<1000000x128xf32, #tpu.memory_space<hbm>>
        tpu.enqueue_indirect_dma source(%dma_start3A_621 : memref<1000000x128xf32, #tpu.memory_space<hbm>>) target(%dma_start3A_615 : memref<128x128xf32, #tpu.memory_space<vmem>>) offsets(%dma_start3A_618 : memref<128xi32, #tpu.memory_space<vmem>>) semaphore(%arg8 : memref<!tpu.dma_semaphore, #tpu.memory_space<semaphore_mem>>)
      } else {
      }
      %add3A_320 = arith.constant 5 : i32
      %add3A_321 = arith.addi %add3A_266, %add3A_320 : i32
      %lt3A_322 = arith.constant 200 : i32
      %lt3A_323 = arith.cmpi slt, %add3A_321, %lt3A_322 : i32
      %convert_element_type3A_324 = arith.extui %lt3A_323 : i1 to i32
      %cond3A_325 = arith.constant 0 : i32
      %cond3A_326 = arith.cmpi ne, %convert_element_type3A_324, %cond3A_325 : i32
      scf.if %cond3A_326 {
        %add3A_599 = arith.constant 5 : i32
        %add3A_600 = arith.addi %add3A_266, %add3A_599 : i32
        %add3A_601 = arith.addi %mul3A_2, %add3A_600 : i32
        %dma_start3A_602 = arith.constant 0 : i32
        %dma_start3A_603 = arith.constant 0 : i32
        %dma_start3A_604 = tpu.memref_slice %arg5[%dma_start3A_602, %dma_start3A_603] : memref<5x128xi32, #tpu.memory_space<vmem>> -> memref<1x128xi32, #tpu.memory_space<vmem>>
        %dma_start3A_605 = tpu.memref_squeeze %dma_start3A_604 : memref<1x128xi32, #tpu.memory_space<vmem>> -> memref<128xi32, #tpu.memory_space<vmem>>
        %dma_start3A_606 = arith.constant 0 : i32
        %dma_start3A_607 = tpu.memref_slice %arg2[%add3A_601, %dma_start3A_606] : memref<6400x128xi32, #tpu.memory_space<hbm>> -> memref<1x128xi32, #tpu.memory_space<hbm>>
        %dma_start3A_608 = tpu.memref_squeeze %dma_start3A_607 : memref<1x128xi32, #tpu.memory_space<hbm>> -> memref<128xi32, #tpu.memory_space<hbm>>
        %dma_start3A_609 = arith.constant 0 : i32
        %dma_start3A_610 = tpu.memref_slice %arg5[%dma_start3A_602, %dma_start3A_609] : memref<5x128xi32, #tpu.memory_space<vmem>> -> memref<1x128xi32, #tpu.memory_space<vmem>>
        %dma_start3A_611 = tpu.memref_squeeze %dma_start3A_610 : memref<1x128xi32, #tpu.memory_space<vmem>> -> memref<128xi32, #tpu.memory_space<vmem>>
        %dma_start3A_612 = arith.constant 0 : i32
        %dma_start3A_613 = tpu.memref_slice %arg2[%add3A_601, %dma_start3A_612] : memref<6400x128xi32, #tpu.memory_space<hbm>> -> memref<1x128xi32, #tpu.memory_space<hbm>>
        %dma_start3A_614 = tpu.memref_squeeze %dma_start3A_613 : memref<1x128xi32, #tpu.memory_space<hbm>> -> memref<128xi32, #tpu.memory_space<hbm>>
        tpu.enqueue_dma source(%dma_start3A_614 : memref<128xi32, #tpu.memory_space<hbm>>) target(%dma_start3A_611 : memref<128xi32, #tpu.memory_space<vmem>>) target_semaphore(%arg7 : memref<!tpu.dma_semaphore, #tpu.memory_space<semaphore_mem>>)
      } else {
      }
      %mul3A_327 = arith.constant 5 : i32
      %mul3A_328 = arith.muli %scan3A_262, %mul3A_327 : i32
      %add3A_329 = arith.constant 1 : i32
      %add3A_330 = arith.addi %mul3A_328, %add3A_329 : i32
      %ge3A_331 = arith.constant 4 : i32
      %ge3A_332 = arith.cmpi sge, %add3A_330, %ge3A_331 : i32
      %add3A_333 = arith.constant 1 : i32
      %add3A_334 = arith.addi %add3A_330, %add3A_333 : i32
      %lt3A_335 = arith.constant 200 : i32
      %lt3A_336 = arith.cmpi slt, %add3A_334, %lt3A_335 : i32
      %and3A_337 = arith.andi %ge3A_332, %lt3A_336 : i1
      %convert_element_type3A_338 = arith.extui %and3A_337 : i1 to i32
      %cond3A_339 = arith.constant 0 : i32
      %cond3A_340 = arith.cmpi ne, %convert_element_type3A_338, %cond3A_339 : i32
      scf.if %cond3A_340 {
        %add3A_599 = arith.constant 1 : i32
        %add3A_600 = arith.addi %add3A_330, %add3A_599 : i32
        %add3A_601 = arith.constant 1 : i32
        %add3A_602 = arith.addi %add3A_330, %add3A_601 : i32
        %jit3A = arith.constant 5 : i32
        %eq3A = arith.constant 0 : i32
        %eq3A_603 = arith.cmpi eq, %jit3A, %eq3A : i32
        %jit3A_604 = arith.constant 1 : i32
        %select_n3A = arith.select %eq3A_603, %jit3A_604, %jit3A : i32
        %rem3A = arith.remsi %add3A_602, %select_n3A : i32
        %ne3A = arith.constant 0 : i32
        %ne3A_605 = arith.cmpi ne, %rem3A, %ne3A : i32
        %lt3A_606 = arith.constant 0 : i32
        %lt3A_607 = arith.cmpi slt, %rem3A, %lt3A_606 : i32
        %lt3A_608 = arith.constant 0 : i32
        %lt3A_609 = arith.cmpi slt, %select_n3A, %lt3A_608 : i32
        %ne3A_610 = arith.xori %lt3A_607, %lt3A_609 : i1
        %and3A_611 = arith.andi %ne3A_610, %ne3A_605 : i1
        %add3A_612 = arith.addi %rem3A, %select_n3A : i32
        %select_n3A_613 = arith.select %and3A_611, %add3A_612, %rem3A : i32
        %add3A_614 = arith.addi %mul3A_2, %add3A_600 : i32
        %dma_wait3A_615 = arith.constant 0 : i32
        %dma_wait3A_616 = tpu.memref_slice %arg5[%select_n3A_613, %dma_wait3A_615] : memref<5x128xi32, #tpu.memory_space<vmem>> -> memref<1x128xi32, #tpu.memory_space<vmem>>
        %dma_wait3A_617 = tpu.memref_squeeze %dma_wait3A_616 : memref<1x128xi32, #tpu.memory_space<vmem>> -> memref<128xi32, #tpu.memory_space<vmem>>
        %dma_wait3A_618 = arith.constant 0 : i32
        %dma_wait3A_619 = tpu.memref_slice %arg2[%add3A_614, %dma_wait3A_618] : memref<6400x128xi32, #tpu.memory_space<hbm>> -> memref<1x128xi32, #tpu.memory_space<hbm>>
        %dma_wait3A_620 = tpu.memref_squeeze %dma_wait3A_619 : memref<1x128xi32, #tpu.memory_space<hbm>> -> memref<128xi32, #tpu.memory_space<hbm>>
        %dma_wait3A_621 = arith.constant 0 : i32
        %dma_wait3A_622 = tpu.memref_slice %arg5[%select_n3A_613, %dma_wait3A_621] : memref<5x128xi32, #tpu.memory_space<vmem>> -> memref<1x128xi32, #tpu.memory_space<vmem>>
        %dma_wait3A_623 = tpu.memref_squeeze %dma_wait3A_622 : memref<1x128xi32, #tpu.memory_space<vmem>> -> memref<128xi32, #tpu.memory_space<vmem>>
        %dma_wait3A_624 = arith.constant 0 : i32
        %dma_wait3A_625 = tpu.memref_slice %arg2[%add3A_614, %dma_wait3A_624] : memref<6400x128xi32, #tpu.memory_space<hbm>> -> memref<1x128xi32, #tpu.memory_space<hbm>>
        %dma_wait3A_626 = tpu.memref_squeeze %dma_wait3A_625 : memref<1x128xi32, #tpu.memory_space<hbm>> -> memref<128xi32, #tpu.memory_space<hbm>>
        tpu.wait_dma2 semaphore(%arg7 : memref<!tpu.dma_semaphore, #tpu.memory_space<semaphore_mem>>) src(%dma_wait3A_626 : memref<128xi32, #tpu.memory_space<hbm>>) dst(%dma_wait3A_623 : memref<128xi32, #tpu.memory_space<vmem>>)
      } else {
      }
      %dma_wait3A_341 = arith.constant 1 : i32
      %dma_wait3A_342 = arith.constant 1 : i32
      %dma_wait3A_343 = arith.constant 0 : i32
      %dma_wait3A_344 = arith.constant 0 : i32
      %dma_wait3A_345 = tpu.memref_slice %arg6[%dma_wait3A_342, %dma_wait3A_343, %dma_wait3A_344] : memref<5x128x128xf32, #tpu.memory_space<vmem>> -> memref<1x128x128xf32, #tpu.memory_space<vmem>>
      %dma_wait3A_346 = tpu.memref_squeeze %dma_wait3A_345 : memref<1x128x128xf32, #tpu.memory_space<vmem>> -> memref<128x128xf32, #tpu.memory_space<vmem>>
      %dma_wait3A_347 = arith.constant 0 : i32
      %dma_wait3A_348 = tpu.memref_slice %arg5[%dma_wait3A_341, %dma_wait3A_347] : memref<5x128xi32, #tpu.memory_space<vmem>> -> memref<1x128xi32, #tpu.memory_space<vmem>>
      %dma_wait3A_349 = tpu.memref_squeeze %dma_wait3A_348 : memref<1x128xi32, #tpu.memory_space<vmem>> -> memref<128xi32, #tpu.memory_space<vmem>>
      %dma_wait3A_350 = arith.constant 0 : i32
      %dma_wait3A_351 = arith.constant 0 : i32
      %dma_wait3A_352 = tpu.memref_slice %arg3[%dma_wait3A_350, %dma_wait3A_351] : memref<1000000x128xf32, #tpu.memory_space<hbm>> -> memref<1000000x128xf32, #tpu.memory_space<hbm>>
      tpu.wait_indirect_dma semaphore(%arg8 : memref<!tpu.dma_semaphore, #tpu.memory_space<semaphore_mem>>) src(%dma_wait3A_352 : memref<1000000x128xf32, #tpu.memory_space<hbm>>) dst(%dma_wait3A_346 : memref<128x128xf32, #tpu.memory_space<vmem>>)
      %add3A_353 = arith.addi %mul3A_2, %add3A_330 : i32
      %shift_right_arithmetic3A_354 = arith.constant 7 : i32
      %shift_right_arithmetic3A_355 = arith.shrsi %add3A_353, %shift_right_arithmetic3A_354 : i32
      %mul3A_356 = arith.constant 16384 : i32
      %mul3A_357 = arith.muli %shift_right_arithmetic3A_355, %mul3A_356 : i32
      %and3A_358 = arith.constant 127 : i32
      %and3A_359 = arith.andi %add3A_353, %and3A_358 : i32
      %mul3A_360 = arith.constant 128 : i32
      %mul3A_361 = arith.muli %and3A_359, %mul3A_360 : i32
      %add3A_362 = arith.addi %mul3A_357, %mul3A_361 : i32
      %dma_start3A_363 = arith.constant 1 : i32
      %dma_start3A_364 = arith.constant 0 : i32
      %dma_start3A_365 = arith.constant 0 : i32
      %dma_start3A_366 = tpu.memref_slice %arg6[%dma_start3A_363, %dma_start3A_364, %dma_start3A_365] : memref<5x128x128xf32, #tpu.memory_space<vmem>> -> memref<1x128x128xf32, #tpu.memory_space<vmem>>
      %dma_start3A_367 = tpu.memref_squeeze %dma_start3A_366 : memref<1x128x128xf32, #tpu.memory_space<vmem>> -> memref<128x128xf32, #tpu.memory_space<vmem>>
      %dma_start3A_368 = arith.constant 0 : i32
      %dma_start3A_369 = tpu.memref_slice %arg4[%add3A_362, %dma_start3A_368] : memref<819200x128xf32, #tpu.memory_space<hbm>> -> memref<128x128xf32, #tpu.memory_space<hbm>>
      %dma_start3A_370 = arith.constant 0 : i32
      %dma_start3A_371 = tpu.memref_slice %arg4[%add3A_362, %dma_start3A_370] : memref<819200x128xf32, #tpu.memory_space<hbm>> -> memref<128x128xf32, #tpu.memory_space<hbm>>
      %dma_start3A_372 = arith.constant 0 : i32
      %dma_start3A_373 = arith.constant 0 : i32
      %dma_start3A_374 = tpu.memref_slice %arg6[%dma_start3A_363, %dma_start3A_372, %dma_start3A_373] : memref<5x128x128xf32, #tpu.memory_space<vmem>> -> memref<1x128x128xf32, #tpu.memory_space<vmem>>
      %dma_start3A_375 = tpu.memref_squeeze %dma_start3A_374 : memref<1x128x128xf32, #tpu.memory_space<vmem>> -> memref<128x128xf32, #tpu.memory_space<vmem>>
      tpu.enqueue_dma source(%dma_start3A_375 : memref<128x128xf32, #tpu.memory_space<vmem>>) target(%dma_start3A_371 : memref<128x128xf32, #tpu.memory_space<hbm>>) target_semaphore(%arg9 : memref<!tpu.dma_semaphore, #tpu.memory_space<semaphore_mem>>)
      %ge3A_376 = arith.constant 4 : i32
      %ge3A_377 = arith.cmpi sge, %add3A_330, %ge3A_376 : i32
      %convert_element_type3A_378 = arith.extui %ge3A_377 : i1 to i32
      %cond3A_379 = arith.constant 0 : i32
      %cond3A_380 = arith.cmpi ne, %convert_element_type3A_378, %cond3A_379 : i32
      scf.if %cond3A_380 {
        %sub3A = arith.constant 4 : i32
        %sub3A_599 = arith.subi %add3A_330, %sub3A : i32
        %add3A_600 = arith.constant 1 : i32
        %add3A_601 = arith.addi %add3A_330, %add3A_600 : i32
        %jit3A = arith.constant 5 : i32
        %eq3A = arith.constant 0 : i32
        %eq3A_602 = arith.cmpi eq, %jit3A, %eq3A : i32
        %jit3A_603 = arith.constant 1 : i32
        %select_n3A = arith.select %eq3A_602, %jit3A_603, %jit3A : i32
        %rem3A = arith.remsi %add3A_601, %select_n3A : i32
        %ne3A = arith.constant 0 : i32
        %ne3A_604 = arith.cmpi ne, %rem3A, %ne3A : i32
        %lt3A_605 = arith.constant 0 : i32
        %lt3A_606 = arith.cmpi slt, %rem3A, %lt3A_605 : i32
        %lt3A_607 = arith.constant 0 : i32
        %lt3A_608 = arith.cmpi slt, %select_n3A, %lt3A_607 : i32
        %ne3A_609 = arith.xori %lt3A_606, %lt3A_608 : i1
        %and3A_610 = arith.andi %ne3A_609, %ne3A_604 : i1
        %add3A_611 = arith.addi %rem3A, %select_n3A : i32
        %select_n3A_612 = arith.select %and3A_610, %add3A_611, %rem3A : i32
        %add3A_613 = arith.addi %mul3A_2, %sub3A_599 : i32
        %shift_right_arithmetic3A_614 = arith.constant 7 : i32
        %shift_right_arithmetic3A_615 = arith.shrsi %add3A_613, %shift_right_arithmetic3A_614 : i32
        %mul3A_616 = arith.constant 16384 : i32
        %mul3A_617 = arith.muli %shift_right_arithmetic3A_615, %mul3A_616 : i32
        %and3A_618 = arith.constant 127 : i32
        %and3A_619 = arith.andi %add3A_613, %and3A_618 : i32
        %mul3A_620 = arith.constant 128 : i32
        %mul3A_621 = arith.muli %and3A_619, %mul3A_620 : i32
        %add3A_622 = arith.addi %mul3A_617, %mul3A_621 : i32
        %dma_wait3A_623 = arith.constant 0 : i32
        %dma_wait3A_624 = arith.constant 0 : i32
        %dma_wait3A_625 = tpu.memref_slice %arg6[%select_n3A_612, %dma_wait3A_623, %dma_wait3A_624] : memref<5x128x128xf32, #tpu.memory_space<vmem>> -> memref<1x128x128xf32, #tpu.memory_space<vmem>>
        %dma_wait3A_626 = tpu.memref_squeeze %dma_wait3A_625 : memref<1x128x128xf32, #tpu.memory_space<vmem>> -> memref<128x128xf32, #tpu.memory_space<vmem>>
        %dma_wait3A_627 = arith.constant 0 : i32
        %dma_wait3A_628 = tpu.memref_slice %arg4[%add3A_622, %dma_wait3A_627] : memref<819200x128xf32, #tpu.memory_space<hbm>> -> memref<128x128xf32, #tpu.memory_space<hbm>>
        %dma_wait3A_629 = arith.constant 0 : i32
        %dma_wait3A_630 = tpu.memref_slice %arg4[%add3A_622, %dma_wait3A_629] : memref<819200x128xf32, #tpu.memory_space<hbm>> -> memref<128x128xf32, #tpu.memory_space<hbm>>
        %dma_wait3A_631 = arith.constant 0 : i32
        %dma_wait3A_632 = arith.constant 0 : i32
        %dma_wait3A_633 = tpu.memref_slice %arg6[%select_n3A_612, %dma_wait3A_631, %dma_wait3A_632] : memref<5x128x128xf32, #tpu.memory_space<vmem>> -> memref<1x128x128xf32, #tpu.memory_space<vmem>>
        %dma_wait3A_634 = tpu.memref_squeeze %dma_wait3A_633 : memref<1x128x128xf32, #tpu.memory_space<vmem>> -> memref<128x128xf32, #tpu.memory_space<vmem>>
        tpu.wait_dma2 semaphore(%arg9 : memref<!tpu.dma_semaphore, #tpu.memory_space<semaphore_mem>>) src(%dma_wait3A_634 : memref<128x128xf32, #tpu.memory_space<vmem>>) dst(%dma_wait3A_630 : memref<128x128xf32, #tpu.memory_space<hbm>>)
      } else {
      }
      %add3A_381 = arith.constant 1 : i32
      %add3A_382 = arith.addi %add3A_330, %add3A_381 : i32
      %lt3A_383 = arith.constant 200 : i32
      %lt3A_384 = arith.cmpi slt, %add3A_382, %lt3A_383 : i32
      %convert_element_type3A_385 = arith.extui %lt3A_384 : i1 to i32
      %cond3A_386 = arith.constant 0 : i32
      %cond3A_387 = arith.cmpi ne, %convert_element_type3A_385, %cond3A_386 : i32
      scf.if %cond3A_387 {
        %add3A_599 = arith.constant 1 : i32
        %add3A_600 = arith.addi %add3A_330, %add3A_599 : i32
        %jit3A = arith.constant 5 : i32
        %eq3A = arith.constant 0 : i32
        %eq3A_601 = arith.cmpi eq, %jit3A, %eq3A : i32
        %jit3A_602 = arith.constant 1 : i32
        %select_n3A = arith.select %eq3A_601, %jit3A_602, %jit3A : i32
        %rem3A = arith.remsi %add3A_600, %select_n3A : i32
        %ne3A = arith.constant 0 : i32
        %ne3A_603 = arith.cmpi ne, %rem3A, %ne3A : i32
        %lt3A_604 = arith.constant 0 : i32
        %lt3A_605 = arith.cmpi slt, %rem3A, %lt3A_604 : i32
        %lt3A_606 = arith.constant 0 : i32
        %lt3A_607 = arith.cmpi slt, %select_n3A, %lt3A_606 : i32
        %ne3A_608 = arith.xori %lt3A_605, %lt3A_607 : i1
        %and3A_609 = arith.andi %ne3A_608, %ne3A_603 : i1
        %add3A_610 = arith.addi %rem3A, %select_n3A : i32
        %select_n3A_611 = arith.select %and3A_609, %add3A_610, %rem3A : i32
        %dma_start3A_612 = arith.constant 0 : i32
        %dma_start3A_613 = arith.constant 0 : i32
        %dma_start3A_614 = tpu.memref_slice %arg6[%select_n3A_611, %dma_start3A_612, %dma_start3A_613] : memref<5x128x128xf32, #tpu.memory_space<vmem>> -> memref<1x128x128xf32, #tpu.memory_space<vmem>>
        %dma_start3A_615 = tpu.memref_squeeze %dma_start3A_614 : memref<1x128x128xf32, #tpu.memory_space<vmem>> -> memref<128x128xf32, #tpu.memory_space<vmem>>
        %dma_start3A_616 = arith.constant 0 : i32
        %dma_start3A_617 = tpu.memref_slice %arg5[%select_n3A_611, %dma_start3A_616] : memref<5x128xi32, #tpu.memory_space<vmem>> -> memref<1x128xi32, #tpu.memory_space<vmem>>
        %dma_start3A_618 = tpu.memref_squeeze %dma_start3A_617 : memref<1x128xi32, #tpu.memory_space<vmem>> -> memref<128xi32, #tpu.memory_space<vmem>>
        %dma_start3A_619 = arith.constant 0 : i32
        %dma_start3A_620 = arith.constant 0 : i32
        %dma_start3A_621 = tpu.memref_slice %arg3[%dma_start3A_619, %dma_start3A_620] : memref<1000000x128xf32, #tpu.memory_space<hbm>> -> memref<1000000x128xf32, #tpu.memory_space<hbm>>
        tpu.enqueue_indirect_dma source(%dma_start3A_621 : memref<1000000x128xf32, #tpu.memory_space<hbm>>) target(%dma_start3A_615 : memref<128x128xf32, #tpu.memory_space<vmem>>) offsets(%dma_start3A_618 : memref<128xi32, #tpu.memory_space<vmem>>) semaphore(%arg8 : memref<!tpu.dma_semaphore, #tpu.memory_space<semaphore_mem>>)
      } else {
      }
      %add3A_388 = arith.constant 5 : i32
      %add3A_389 = arith.addi %add3A_330, %add3A_388 : i32
      %lt3A_390 = arith.constant 200 : i32
      %lt3A_391 = arith.cmpi slt, %add3A_389, %lt3A_390 : i32
      %convert_element_type3A_392 = arith.extui %lt3A_391 : i1 to i32
      %cond3A_393 = arith.constant 0 : i32
      %cond3A_394 = arith.cmpi ne, %convert_element_type3A_392, %cond3A_393 : i32
      scf.if %cond3A_394 {
        %add3A_599 = arith.constant 5 : i32
        %add3A_600 = arith.addi %add3A_330, %add3A_599 : i32
        %add3A_601 = arith.addi %mul3A_2, %add3A_600 : i32
        %dma_start3A_602 = arith.constant 1 : i32
        %dma_start3A_603 = arith.constant 0 : i32
        %dma_start3A_604 = tpu.memref_slice %arg5[%dma_start3A_602, %dma_start3A_603] : memref<5x128xi32, #tpu.memory_space<vmem>> -> memref<1x128xi32, #tpu.memory_space<vmem>>
        %dma_start3A_605 = tpu.memref_squeeze %dma_start3A_604 : memref<1x128xi32, #tpu.memory_space<vmem>> -> memref<128xi32, #tpu.memory_space<vmem>>
        %dma_start3A_606 = arith.constant 0 : i32
        %dma_start3A_607 = tpu.memref_slice %arg2[%add3A_601, %dma_start3A_606] : memref<6400x128xi32, #tpu.memory_space<hbm>> -> memref<1x128xi32, #tpu.memory_space<hbm>>
        %dma_start3A_608 = tpu.memref_squeeze %dma_start3A_607 : memref<1x128xi32, #tpu.memory_space<hbm>> -> memref<128xi32, #tpu.memory_space<hbm>>
        %dma_start3A_609 = arith.constant 0 : i32
        %dma_start3A_610 = tpu.memref_slice %arg5[%dma_start3A_602, %dma_start3A_609] : memref<5x128xi32, #tpu.memory_space<vmem>> -> memref<1x128xi32, #tpu.memory_space<vmem>>
        %dma_start3A_611 = tpu.memref_squeeze %dma_start3A_610 : memref<1x128xi32, #tpu.memory_space<vmem>> -> memref<128xi32, #tpu.memory_space<vmem>>
        %dma_start3A_612 = arith.constant 0 : i32
        %dma_start3A_613 = tpu.memref_slice %arg2[%add3A_601, %dma_start3A_612] : memref<6400x128xi32, #tpu.memory_space<hbm>> -> memref<1x128xi32, #tpu.memory_space<hbm>>
        %dma_start3A_614 = tpu.memref_squeeze %dma_start3A_613 : memref<1x128xi32, #tpu.memory_space<hbm>> -> memref<128xi32, #tpu.memory_space<hbm>>
        tpu.enqueue_dma source(%dma_start3A_614 : memref<128xi32, #tpu.memory_space<hbm>>) target(%dma_start3A_611 : memref<128xi32, #tpu.memory_space<vmem>>) target_semaphore(%arg7 : memref<!tpu.dma_semaphore, #tpu.memory_space<semaphore_mem>>)
      } else {
      }
      %mul3A_395 = arith.constant 5 : i32
      %mul3A_396 = arith.muli %scan3A_262, %mul3A_395 : i32
      %add3A_397 = arith.constant 2 : i32
      %add3A_398 = arith.addi %mul3A_396, %add3A_397 : i32
      %ge3A_399 = arith.constant 4 : i32
      %ge3A_400 = arith.cmpi sge, %add3A_398, %ge3A_399 : i32
      %add3A_401 = arith.constant 1 : i32
      %add3A_402 = arith.addi %add3A_398, %add3A_401 : i32
      %lt3A_403 = arith.constant 200 : i32
      %lt3A_404 = arith.cmpi slt, %add3A_402, %lt3A_403 : i32
      %and3A_405 = arith.andi %ge3A_400, %lt3A_404 : i1
      %convert_element_type3A_406 = arith.extui %and3A_405 : i1 to i32
      %cond3A_407 = arith.constant 0 : i32
      %cond3A_408 = arith.cmpi ne, %convert_element_type3A_406, %cond3A_407 : i32
      scf.if %cond3A_408 {
        %add3A_599 = arith.constant 1 : i32
        %add3A_600 = arith.addi %add3A_398, %add3A_599 : i32
        %add3A_601 = arith.constant 1 : i32
        %add3A_602 = arith.addi %add3A_398, %add3A_601 : i32
        %jit3A = arith.constant 5 : i32
        %eq3A = arith.constant 0 : i32
        %eq3A_603 = arith.cmpi eq, %jit3A, %eq3A : i32
        %jit3A_604 = arith.constant 1 : i32
        %select_n3A = arith.select %eq3A_603, %jit3A_604, %jit3A : i32
        %rem3A = arith.remsi %add3A_602, %select_n3A : i32
        %ne3A = arith.constant 0 : i32
        %ne3A_605 = arith.cmpi ne, %rem3A, %ne3A : i32
        %lt3A_606 = arith.constant 0 : i32
        %lt3A_607 = arith.cmpi slt, %rem3A, %lt3A_606 : i32
        %lt3A_608 = arith.constant 0 : i32
        %lt3A_609 = arith.cmpi slt, %select_n3A, %lt3A_608 : i32
        %ne3A_610 = arith.xori %lt3A_607, %lt3A_609 : i1
        %and3A_611 = arith.andi %ne3A_610, %ne3A_605 : i1
        %add3A_612 = arith.addi %rem3A, %select_n3A : i32
        %select_n3A_613 = arith.select %and3A_611, %add3A_612, %rem3A : i32
        %add3A_614 = arith.addi %mul3A_2, %add3A_600 : i32
        %dma_wait3A_615 = arith.constant 0 : i32
        %dma_wait3A_616 = tpu.memref_slice %arg5[%select_n3A_613, %dma_wait3A_615] : memref<5x128xi32, #tpu.memory_space<vmem>> -> memref<1x128xi32, #tpu.memory_space<vmem>>
        %dma_wait3A_617 = tpu.memref_squeeze %dma_wait3A_616 : memref<1x128xi32, #tpu.memory_space<vmem>> -> memref<128xi32, #tpu.memory_space<vmem>>
        %dma_wait3A_618 = arith.constant 0 : i32
        %dma_wait3A_619 = tpu.memref_slice %arg2[%add3A_614, %dma_wait3A_618] : memref<6400x128xi32, #tpu.memory_space<hbm>> -> memref<1x128xi32, #tpu.memory_space<hbm>>
        %dma_wait3A_620 = tpu.memref_squeeze %dma_wait3A_619 : memref<1x128xi32, #tpu.memory_space<hbm>> -> memref<128xi32, #tpu.memory_space<hbm>>
        %dma_wait3A_621 = arith.constant 0 : i32
        %dma_wait3A_622 = tpu.memref_slice %arg5[%select_n3A_613, %dma_wait3A_621] : memref<5x128xi32, #tpu.memory_space<vmem>> -> memref<1x128xi32, #tpu.memory_space<vmem>>
        %dma_wait3A_623 = tpu.memref_squeeze %dma_wait3A_622 : memref<1x128xi32, #tpu.memory_space<vmem>> -> memref<128xi32, #tpu.memory_space<vmem>>
        %dma_wait3A_624 = arith.constant 0 : i32
        %dma_wait3A_625 = tpu.memref_slice %arg2[%add3A_614, %dma_wait3A_624] : memref<6400x128xi32, #tpu.memory_space<hbm>> -> memref<1x128xi32, #tpu.memory_space<hbm>>
        %dma_wait3A_626 = tpu.memref_squeeze %dma_wait3A_625 : memref<1x128xi32, #tpu.memory_space<hbm>> -> memref<128xi32, #tpu.memory_space<hbm>>
        tpu.wait_dma2 semaphore(%arg7 : memref<!tpu.dma_semaphore, #tpu.memory_space<semaphore_mem>>) src(%dma_wait3A_626 : memref<128xi32, #tpu.memory_space<hbm>>) dst(%dma_wait3A_623 : memref<128xi32, #tpu.memory_space<vmem>>)
      } else {
      }
      %dma_wait3A_409 = arith.constant 2 : i32
      %dma_wait3A_410 = arith.constant 2 : i32
      %dma_wait3A_411 = arith.constant 0 : i32
      %dma_wait3A_412 = arith.constant 0 : i32
      %dma_wait3A_413 = tpu.memref_slice %arg6[%dma_wait3A_410, %dma_wait3A_411, %dma_wait3A_412] : memref<5x128x128xf32, #tpu.memory_space<vmem>> -> memref<1x128x128xf32, #tpu.memory_space<vmem>>
      %dma_wait3A_414 = tpu.memref_squeeze %dma_wait3A_413 : memref<1x128x128xf32, #tpu.memory_space<vmem>> -> memref<128x128xf32, #tpu.memory_space<vmem>>
      %dma_wait3A_415 = arith.constant 0 : i32
      %dma_wait3A_416 = tpu.memref_slice %arg5[%dma_wait3A_409, %dma_wait3A_415] : memref<5x128xi32, #tpu.memory_space<vmem>> -> memref<1x128xi32, #tpu.memory_space<vmem>>
      %dma_wait3A_417 = tpu.memref_squeeze %dma_wait3A_416 : memref<1x128xi32, #tpu.memory_space<vmem>> -> memref<128xi32, #tpu.memory_space<vmem>>
      %dma_wait3A_418 = arith.constant 0 : i32
      %dma_wait3A_419 = arith.constant 0 : i32
      %dma_wait3A_420 = tpu.memref_slice %arg3[%dma_wait3A_418, %dma_wait3A_419] : memref<1000000x128xf32, #tpu.memory_space<hbm>> -> memref<1000000x128xf32, #tpu.memory_space<hbm>>
      tpu.wait_indirect_dma semaphore(%arg8 : memref<!tpu.dma_semaphore, #tpu.memory_space<semaphore_mem>>) src(%dma_wait3A_420 : memref<1000000x128xf32, #tpu.memory_space<hbm>>) dst(%dma_wait3A_414 : memref<128x128xf32, #tpu.memory_space<vmem>>)
      %add3A_421 = arith.addi %mul3A_2, %add3A_398 : i32
      %shift_right_arithmetic3A_422 = arith.constant 7 : i32
      %shift_right_arithmetic3A_423 = arith.shrsi %add3A_421, %shift_right_arithmetic3A_422 : i32
      %mul3A_424 = arith.constant 16384 : i32
      %mul3A_425 = arith.muli %shift_right_arithmetic3A_423, %mul3A_424 : i32
      %and3A_426 = arith.constant 127 : i32
      %and3A_427 = arith.andi %add3A_421, %and3A_426 : i32
      %mul3A_428 = arith.constant 128 : i32
      %mul3A_429 = arith.muli %and3A_427, %mul3A_428 : i32
      %add3A_430 = arith.addi %mul3A_425, %mul3A_429 : i32
      %dma_start3A_431 = arith.constant 2 : i32
      %dma_start3A_432 = arith.constant 0 : i32
      %dma_start3A_433 = arith.constant 0 : i32
      %dma_start3A_434 = tpu.memref_slice %arg6[%dma_start3A_431, %dma_start3A_432, %dma_start3A_433] : memref<5x128x128xf32, #tpu.memory_space<vmem>> -> memref<1x128x128xf32, #tpu.memory_space<vmem>>
      %dma_start3A_435 = tpu.memref_squeeze %dma_start3A_434 : memref<1x128x128xf32, #tpu.memory_space<vmem>> -> memref<128x128xf32, #tpu.memory_space<vmem>>
      %dma_start3A_436 = arith.constant 0 : i32
      %dma_start3A_437 = tpu.memref_slice %arg4[%add3A_430, %dma_start3A_436] : memref<819200x128xf32, #tpu.memory_space<hbm>> -> memref<128x128xf32, #tpu.memory_space<hbm>>
      %dma_start3A_438 = arith.constant 0 : i32
      %dma_start3A_439 = tpu.memref_slice %arg4[%add3A_430, %dma_start3A_438] : memref<819200x128xf32, #tpu.memory_space<hbm>> -> memref<128x128xf32, #tpu.memory_space<hbm>>
      %dma_start3A_440 = arith.constant 0 : i32
      %dma_start3A_441 = arith.constant 0 : i32
      %dma_start3A_442 = tpu.memref_slice %arg6[%dma_start3A_431, %dma_start3A_440, %dma_start3A_441] : memref<5x128x128xf32, #tpu.memory_space<vmem>> -> memref<1x128x128xf32, #tpu.memory_space<vmem>>
      %dma_start3A_443 = tpu.memref_squeeze %dma_start3A_442 : memref<1x128x128xf32, #tpu.memory_space<vmem>> -> memref<128x128xf32, #tpu.memory_space<vmem>>
      tpu.enqueue_dma source(%dma_start3A_443 : memref<128x128xf32, #tpu.memory_space<vmem>>) target(%dma_start3A_439 : memref<128x128xf32, #tpu.memory_space<hbm>>) target_semaphore(%arg9 : memref<!tpu.dma_semaphore, #tpu.memory_space<semaphore_mem>>)
      %ge3A_444 = arith.constant 4 : i32
      %ge3A_445 = arith.cmpi sge, %add3A_398, %ge3A_444 : i32
      %convert_element_type3A_446 = arith.extui %ge3A_445 : i1 to i32
      %cond3A_447 = arith.constant 0 : i32
      %cond3A_448 = arith.cmpi ne, %convert_element_type3A_446, %cond3A_447 : i32
      scf.if %cond3A_448 {
        %sub3A = arith.constant 4 : i32
        %sub3A_599 = arith.subi %add3A_398, %sub3A : i32
        %add3A_600 = arith.constant 1 : i32
        %add3A_601 = arith.addi %add3A_398, %add3A_600 : i32
        %jit3A = arith.constant 5 : i32
        %eq3A = arith.constant 0 : i32
        %eq3A_602 = arith.cmpi eq, %jit3A, %eq3A : i32
        %jit3A_603 = arith.constant 1 : i32
        %select_n3A = arith.select %eq3A_602, %jit3A_603, %jit3A : i32
        %rem3A = arith.remsi %add3A_601, %select_n3A : i32
        %ne3A = arith.constant 0 : i32
        %ne3A_604 = arith.cmpi ne, %rem3A, %ne3A : i32
        %lt3A_605 = arith.constant 0 : i32
        %lt3A_606 = arith.cmpi slt, %rem3A, %lt3A_605 : i32
        %lt3A_607 = arith.constant 0 : i32
        %lt3A_608 = arith.cmpi slt, %select_n3A, %lt3A_607 : i32
        %ne3A_609 = arith.xori %lt3A_606, %lt3A_608 : i1
        %and3A_610 = arith.andi %ne3A_609, %ne3A_604 : i1
        %add3A_611 = arith.addi %rem3A, %select_n3A : i32
        %select_n3A_612 = arith.select %and3A_610, %add3A_611, %rem3A : i32
        %add3A_613 = arith.addi %mul3A_2, %sub3A_599 : i32
        %shift_right_arithmetic3A_614 = arith.constant 7 : i32
        %shift_right_arithmetic3A_615 = arith.shrsi %add3A_613, %shift_right_arithmetic3A_614 : i32
        %mul3A_616 = arith.constant 16384 : i32
        %mul3A_617 = arith.muli %shift_right_arithmetic3A_615, %mul3A_616 : i32
        %and3A_618 = arith.constant 127 : i32
        %and3A_619 = arith.andi %add3A_613, %and3A_618 : i32
        %mul3A_620 = arith.constant 128 : i32
        %mul3A_621 = arith.muli %and3A_619, %mul3A_620 : i32
        %add3A_622 = arith.addi %mul3A_617, %mul3A_621 : i32
        %dma_wait3A_623 = arith.constant 0 : i32
        %dma_wait3A_624 = arith.constant 0 : i32
        %dma_wait3A_625 = tpu.memref_slice %arg6[%select_n3A_612, %dma_wait3A_623, %dma_wait3A_624] : memref<5x128x128xf32, #tpu.memory_space<vmem>> -> memref<1x128x128xf32, #tpu.memory_space<vmem>>
        %dma_wait3A_626 = tpu.memref_squeeze %dma_wait3A_625 : memref<1x128x128xf32, #tpu.memory_space<vmem>> -> memref<128x128xf32, #tpu.memory_space<vmem>>
        %dma_wait3A_627 = arith.constant 0 : i32
        %dma_wait3A_628 = tpu.memref_slice %arg4[%add3A_622, %dma_wait3A_627] : memref<819200x128xf32, #tpu.memory_space<hbm>> -> memref<128x128xf32, #tpu.memory_space<hbm>>
        %dma_wait3A_629 = arith.constant 0 : i32
        %dma_wait3A_630 = tpu.memref_slice %arg4[%add3A_622, %dma_wait3A_629] : memref<819200x128xf32, #tpu.memory_space<hbm>> -> memref<128x128xf32, #tpu.memory_space<hbm>>
        %dma_wait3A_631 = arith.constant 0 : i32
        %dma_wait3A_632 = arith.constant 0 : i32
        %dma_wait3A_633 = tpu.memref_slice %arg6[%select_n3A_612, %dma_wait3A_631, %dma_wait3A_632] : memref<5x128x128xf32, #tpu.memory_space<vmem>> -> memref<1x128x128xf32, #tpu.memory_space<vmem>>
        %dma_wait3A_634 = tpu.memref_squeeze %dma_wait3A_633 : memref<1x128x128xf32, #tpu.memory_space<vmem>> -> memref<128x128xf32, #tpu.memory_space<vmem>>
        tpu.wait_dma2 semaphore(%arg9 : memref<!tpu.dma_semaphore, #tpu.memory_space<semaphore_mem>>) src(%dma_wait3A_634 : memref<128x128xf32, #tpu.memory_space<vmem>>) dst(%dma_wait3A_630 : memref<128x128xf32, #tpu.memory_space<hbm>>)
      } else {
      }
      %add3A_449 = arith.constant 1 : i32
      %add3A_450 = arith.addi %add3A_398, %add3A_449 : i32
      %lt3A_451 = arith.constant 200 : i32
      %lt3A_452 = arith.cmpi slt, %add3A_450, %lt3A_451 : i32
      %convert_element_type3A_453 = arith.extui %lt3A_452 : i1 to i32
      %cond3A_454 = arith.constant 0 : i32
      %cond3A_455 = arith.cmpi ne, %convert_element_type3A_453, %cond3A_454 : i32
      scf.if %cond3A_455 {
        %add3A_599 = arith.constant 1 : i32
        %add3A_600 = arith.addi %add3A_398, %add3A_599 : i32
        %jit3A = arith.constant 5 : i32
        %eq3A = arith.constant 0 : i32
        %eq3A_601 = arith.cmpi eq, %jit3A, %eq3A : i32
        %jit3A_602 = arith.constant 1 : i32
        %select_n3A = arith.select %eq3A_601, %jit3A_602, %jit3A : i32
        %rem3A = arith.remsi %add3A_600, %select_n3A : i32
        %ne3A = arith.constant 0 : i32
        %ne3A_603 = arith.cmpi ne, %rem3A, %ne3A : i32
        %lt3A_604 = arith.constant 0 : i32
        %lt3A_605 = arith.cmpi slt, %rem3A, %lt3A_604 : i32
        %lt3A_606 = arith.constant 0 : i32
        %lt3A_607 = arith.cmpi slt, %select_n3A, %lt3A_606 : i32
        %ne3A_608 = arith.xori %lt3A_605, %lt3A_607 : i1
        %and3A_609 = arith.andi %ne3A_608, %ne3A_603 : i1
        %add3A_610 = arith.addi %rem3A, %select_n3A : i32
        %select_n3A_611 = arith.select %and3A_609, %add3A_610, %rem3A : i32
        %dma_start3A_612 = arith.constant 0 : i32
        %dma_start3A_613 = arith.constant 0 : i32
        %dma_start3A_614 = tpu.memref_slice %arg6[%select_n3A_611, %dma_start3A_612, %dma_start3A_613] : memref<5x128x128xf32, #tpu.memory_space<vmem>> -> memref<1x128x128xf32, #tpu.memory_space<vmem>>
        %dma_start3A_615 = tpu.memref_squeeze %dma_start3A_614 : memref<1x128x128xf32, #tpu.memory_space<vmem>> -> memref<128x128xf32, #tpu.memory_space<vmem>>
        %dma_start3A_616 = arith.constant 0 : i32
        %dma_start3A_617 = tpu.memref_slice %arg5[%select_n3A_611, %dma_start3A_616] : memref<5x128xi32, #tpu.memory_space<vmem>> -> memref<1x128xi32, #tpu.memory_space<vmem>>
        %dma_start3A_618 = tpu.memref_squeeze %dma_start3A_617 : memref<1x128xi32, #tpu.memory_space<vmem>> -> memref<128xi32, #tpu.memory_space<vmem>>
        %dma_start3A_619 = arith.constant 0 : i32
        %dma_start3A_620 = arith.constant 0 : i32
        %dma_start3A_621 = tpu.memref_slice %arg3[%dma_start3A_619, %dma_start3A_620] : memref<1000000x128xf32, #tpu.memory_space<hbm>> -> memref<1000000x128xf32, #tpu.memory_space<hbm>>
        tpu.enqueue_indirect_dma source(%dma_start3A_621 : memref<1000000x128xf32, #tpu.memory_space<hbm>>) target(%dma_start3A_615 : memref<128x128xf32, #tpu.memory_space<vmem>>) offsets(%dma_start3A_618 : memref<128xi32, #tpu.memory_space<vmem>>) semaphore(%arg8 : memref<!tpu.dma_semaphore, #tpu.memory_space<semaphore_mem>>)
      } else {
      }
      %add3A_456 = arith.constant 5 : i32
      %add3A_457 = arith.addi %add3A_398, %add3A_456 : i32
      %lt3A_458 = arith.constant 200 : i32
      %lt3A_459 = arith.cmpi slt, %add3A_457, %lt3A_458 : i32
      %convert_element_type3A_460 = arith.extui %lt3A_459 : i1 to i32
      %cond3A_461 = arith.constant 0 : i32
      %cond3A_462 = arith.cmpi ne, %convert_element_type3A_460, %cond3A_461 : i32
      scf.if %cond3A_462 {
        %add3A_599 = arith.constant 5 : i32
        %add3A_600 = arith.addi %add3A_398, %add3A_599 : i32
        %add3A_601 = arith.addi %mul3A_2, %add3A_600 : i32
        %dma_start3A_602 = arith.constant 2 : i32
        %dma_start3A_603 = arith.constant 0 : i32
        %dma_start3A_604 = tpu.memref_slice %arg5[%dma_start3A_602, %dma_start3A_603] : memref<5x128xi32, #tpu.memory_space<vmem>> -> memref<1x128xi32, #tpu.memory_space<vmem>>
        %dma_start3A_605 = tpu.memref_squeeze %dma_start3A_604 : memref<1x128xi32, #tpu.memory_space<vmem>> -> memref<128xi32, #tpu.memory_space<vmem>>
        %dma_start3A_606 = arith.constant 0 : i32
        %dma_start3A_607 = tpu.memref_slice %arg2[%add3A_601, %dma_start3A_606] : memref<6400x128xi32, #tpu.memory_space<hbm>> -> memref<1x128xi32, #tpu.memory_space<hbm>>
        %dma_start3A_608 = tpu.memref_squeeze %dma_start3A_607 : memref<1x128xi32, #tpu.memory_space<hbm>> -> memref<128xi32, #tpu.memory_space<hbm>>
        %dma_start3A_609 = arith.constant 0 : i32
        %dma_start3A_610 = tpu.memref_slice %arg5[%dma_start3A_602, %dma_start3A_609] : memref<5x128xi32, #tpu.memory_space<vmem>> -> memref<1x128xi32, #tpu.memory_space<vmem>>
        %dma_start3A_611 = tpu.memref_squeeze %dma_start3A_610 : memref<1x128xi32, #tpu.memory_space<vmem>> -> memref<128xi32, #tpu.memory_space<vmem>>
        %dma_start3A_612 = arith.constant 0 : i32
        %dma_start3A_613 = tpu.memref_slice %arg2[%add3A_601, %dma_start3A_612] : memref<6400x128xi32, #tpu.memory_space<hbm>> -> memref<1x128xi32, #tpu.memory_space<hbm>>
        %dma_start3A_614 = tpu.memref_squeeze %dma_start3A_613 : memref<1x128xi32, #tpu.memory_space<hbm>> -> memref<128xi32, #tpu.memory_space<hbm>>
        tpu.enqueue_dma source(%dma_start3A_614 : memref<128xi32, #tpu.memory_space<hbm>>) target(%dma_start3A_611 : memref<128xi32, #tpu.memory_space<vmem>>) target_semaphore(%arg7 : memref<!tpu.dma_semaphore, #tpu.memory_space<semaphore_mem>>)
      } else {
      }
      %mul3A_463 = arith.constant 5 : i32
      %mul3A_464 = arith.muli %scan3A_262, %mul3A_463 : i32
      %add3A_465 = arith.constant 3 : i32
      %add3A_466 = arith.addi %mul3A_464, %add3A_465 : i32
      %ge3A_467 = arith.constant 4 : i32
      %ge3A_468 = arith.cmpi sge, %add3A_466, %ge3A_467 : i32
      %add3A_469 = arith.constant 1 : i32
      %add3A_470 = arith.addi %add3A_466, %add3A_469 : i32
      %lt3A_471 = arith.constant 200 : i32
      %lt3A_472 = arith.cmpi slt, %add3A_470, %lt3A_471 : i32
      %and3A_473 = arith.andi %ge3A_468, %lt3A_472 : i1
      %convert_element_type3A_474 = arith.extui %and3A_473 : i1 to i32
      %cond3A_475 = arith.constant 0 : i32
      %cond3A_476 = arith.cmpi ne, %convert_element_type3A_474, %cond3A_475 : i32
      scf.if %cond3A_476 {
        %add3A_599 = arith.constant 1 : i32
        %add3A_600 = arith.addi %add3A_466, %add3A_599 : i32
        %add3A_601 = arith.constant 1 : i32
        %add3A_602 = arith.addi %add3A_466, %add3A_601 : i32
        %jit3A = arith.constant 5 : i32
        %eq3A = arith.constant 0 : i32
        %eq3A_603 = arith.cmpi eq, %jit3A, %eq3A : i32
        %jit3A_604 = arith.constant 1 : i32
        %select_n3A = arith.select %eq3A_603, %jit3A_604, %jit3A : i32
        %rem3A = arith.remsi %add3A_602, %select_n3A : i32
        %ne3A = arith.constant 0 : i32
        %ne3A_605 = arith.cmpi ne, %rem3A, %ne3A : i32
        %lt3A_606 = arith.constant 0 : i32
        %lt3A_607 = arith.cmpi slt, %rem3A, %lt3A_606 : i32
        %lt3A_608 = arith.constant 0 : i32
        %lt3A_609 = arith.cmpi slt, %select_n3A, %lt3A_608 : i32
        %ne3A_610 = arith.xori %lt3A_607, %lt3A_609 : i1
        %and3A_611 = arith.andi %ne3A_610, %ne3A_605 : i1
        %add3A_612 = arith.addi %rem3A, %select_n3A : i32
        %select_n3A_613 = arith.select %and3A_611, %add3A_612, %rem3A : i32
        %add3A_614 = arith.addi %mul3A_2, %add3A_600 : i32
        %dma_wait3A_615 = arith.constant 0 : i32
        %dma_wait3A_616 = tpu.memref_slice %arg5[%select_n3A_613, %dma_wait3A_615] : memref<5x128xi32, #tpu.memory_space<vmem>> -> memref<1x128xi32, #tpu.memory_space<vmem>>
        %dma_wait3A_617 = tpu.memref_squeeze %dma_wait3A_616 : memref<1x128xi32, #tpu.memory_space<vmem>> -> memref<128xi32, #tpu.memory_space<vmem>>
        %dma_wait3A_618 = arith.constant 0 : i32
        %dma_wait3A_619 = tpu.memref_slice %arg2[%add3A_614, %dma_wait3A_618] : memref<6400x128xi32, #tpu.memory_space<hbm>> -> memref<1x128xi32, #tpu.memory_space<hbm>>
        %dma_wait3A_620 = tpu.memref_squeeze %dma_wait3A_619 : memref<1x128xi32, #tpu.memory_space<hbm>> -> memref<128xi32, #tpu.memory_space<hbm>>
        %dma_wait3A_621 = arith.constant 0 : i32
        %dma_wait3A_622 = tpu.memref_slice %arg5[%select_n3A_613, %dma_wait3A_621] : memref<5x128xi32, #tpu.memory_space<vmem>> -> memref<1x128xi32, #tpu.memory_space<vmem>>
        %dma_wait3A_623 = tpu.memref_squeeze %dma_wait3A_622 : memref<1x128xi32, #tpu.memory_space<vmem>> -> memref<128xi32, #tpu.memory_space<vmem>>
        %dma_wait3A_624 = arith.constant 0 : i32
        %dma_wait3A_625 = tpu.memref_slice %arg2[%add3A_614, %dma_wait3A_624] : memref<6400x128xi32, #tpu.memory_space<hbm>> -> memref<1x128xi32, #tpu.memory_space<hbm>>
        %dma_wait3A_626 = tpu.memref_squeeze %dma_wait3A_625 : memref<1x128xi32, #tpu.memory_space<hbm>> -> memref<128xi32, #tpu.memory_space<hbm>>
        tpu.wait_dma2 semaphore(%arg7 : memref<!tpu.dma_semaphore, #tpu.memory_space<semaphore_mem>>) src(%dma_wait3A_626 : memref<128xi32, #tpu.memory_space<hbm>>) dst(%dma_wait3A_623 : memref<128xi32, #tpu.memory_space<vmem>>)
      } else {
      }
      %dma_wait3A_477 = arith.constant 3 : i32
      %dma_wait3A_478 = arith.constant 3 : i32
      %dma_wait3A_479 = arith.constant 0 : i32
      %dma_wait3A_480 = arith.constant 0 : i32
      %dma_wait3A_481 = tpu.memref_slice %arg6[%dma_wait3A_478, %dma_wait3A_479, %dma_wait3A_480] : memref<5x128x128xf32, #tpu.memory_space<vmem>> -> memref<1x128x128xf32, #tpu.memory_space<vmem>>
      %dma_wait3A_482 = tpu.memref_squeeze %dma_wait3A_481 : memref<1x128x128xf32, #tpu.memory_space<vmem>> -> memref<128x128xf32, #tpu.memory_space<vmem>>
      %dma_wait3A_483 = arith.constant 0 : i32
      %dma_wait3A_484 = tpu.memref_slice %arg5[%dma_wait3A_477, %dma_wait3A_483] : memref<5x128xi32, #tpu.memory_space<vmem>> -> memref<1x128xi32, #tpu.memory_space<vmem>>
      %dma_wait3A_485 = tpu.memref_squeeze %dma_wait3A_484 : memref<1x128xi32, #tpu.memory_space<vmem>> -> memref<128xi32, #tpu.memory_space<vmem>>
      %dma_wait3A_486 = arith.constant 0 : i32
      %dma_wait3A_487 = arith.constant 0 : i32
      %dma_wait3A_488 = tpu.memref_slice %arg3[%dma_wait3A_486, %dma_wait3A_487] : memref<1000000x128xf32, #tpu.memory_space<hbm>> -> memref<1000000x128xf32, #tpu.memory_space<hbm>>
      tpu.wait_indirect_dma semaphore(%arg8 : memref<!tpu.dma_semaphore, #tpu.memory_space<semaphore_mem>>) src(%dma_wait3A_488 : memref<1000000x128xf32, #tpu.memory_space<hbm>>) dst(%dma_wait3A_482 : memref<128x128xf32, #tpu.memory_space<vmem>>)
      %add3A_489 = arith.addi %mul3A_2, %add3A_466 : i32
      %shift_right_arithmetic3A_490 = arith.constant 7 : i32
      %shift_right_arithmetic3A_491 = arith.shrsi %add3A_489, %shift_right_arithmetic3A_490 : i32
      %mul3A_492 = arith.constant 16384 : i32
      %mul3A_493 = arith.muli %shift_right_arithmetic3A_491, %mul3A_492 : i32
      %and3A_494 = arith.constant 127 : i32
      %and3A_495 = arith.andi %add3A_489, %and3A_494 : i32
      %mul3A_496 = arith.constant 128 : i32
      %mul3A_497 = arith.muli %and3A_495, %mul3A_496 : i32
      %add3A_498 = arith.addi %mul3A_493, %mul3A_497 : i32
      %dma_start3A_499 = arith.constant 3 : i32
      %dma_start3A_500 = arith.constant 0 : i32
      %dma_start3A_501 = arith.constant 0 : i32
      %dma_start3A_502 = tpu.memref_slice %arg6[%dma_start3A_499, %dma_start3A_500, %dma_start3A_501] : memref<5x128x128xf32, #tpu.memory_space<vmem>> -> memref<1x128x128xf32, #tpu.memory_space<vmem>>
      %dma_start3A_503 = tpu.memref_squeeze %dma_start3A_502 : memref<1x128x128xf32, #tpu.memory_space<vmem>> -> memref<128x128xf32, #tpu.memory_space<vmem>>
      %dma_start3A_504 = arith.constant 0 : i32
      %dma_start3A_505 = tpu.memref_slice %arg4[%add3A_498, %dma_start3A_504] : memref<819200x128xf32, #tpu.memory_space<hbm>> -> memref<128x128xf32, #tpu.memory_space<hbm>>
      %dma_start3A_506 = arith.constant 0 : i32
      %dma_start3A_507 = tpu.memref_slice %arg4[%add3A_498, %dma_start3A_506] : memref<819200x128xf32, #tpu.memory_space<hbm>> -> memref<128x128xf32, #tpu.memory_space<hbm>>
      %dma_start3A_508 = arith.constant 0 : i32
      %dma_start3A_509 = arith.constant 0 : i32
      %dma_start3A_510 = tpu.memref_slice %arg6[%dma_start3A_499, %dma_start3A_508, %dma_start3A_509] : memref<5x128x128xf32, #tpu.memory_space<vmem>> -> memref<1x128x128xf32, #tpu.memory_space<vmem>>
      %dma_start3A_511 = tpu.memref_squeeze %dma_start3A_510 : memref<1x128x128xf32, #tpu.memory_space<vmem>> -> memref<128x128xf32, #tpu.memory_space<vmem>>
      tpu.enqueue_dma source(%dma_start3A_511 : memref<128x128xf32, #tpu.memory_space<vmem>>) target(%dma_start3A_507 : memref<128x128xf32, #tpu.memory_space<hbm>>) target_semaphore(%arg9 : memref<!tpu.dma_semaphore, #tpu.memory_space<semaphore_mem>>)
      %ge3A_512 = arith.constant 4 : i32
      %ge3A_513 = arith.cmpi sge, %add3A_466, %ge3A_512 : i32
      %convert_element_type3A_514 = arith.extui %ge3A_513 : i1 to i32
      %cond3A_515 = arith.constant 0 : i32
      %cond3A_516 = arith.cmpi ne, %convert_element_type3A_514, %cond3A_515 : i32
      scf.if %cond3A_516 {
        %sub3A = arith.constant 4 : i32
        %sub3A_599 = arith.subi %add3A_466, %sub3A : i32
        %add3A_600 = arith.constant 1 : i32
        %add3A_601 = arith.addi %add3A_466, %add3A_600 : i32
        %jit3A = arith.constant 5 : i32
        %eq3A = arith.constant 0 : i32
        %eq3A_602 = arith.cmpi eq, %jit3A, %eq3A : i32
        %jit3A_603 = arith.constant 1 : i32
        %select_n3A = arith.select %eq3A_602, %jit3A_603, %jit3A : i32
        %rem3A = arith.remsi %add3A_601, %select_n3A : i32
        %ne3A = arith.constant 0 : i32
        %ne3A_604 = arith.cmpi ne, %rem3A, %ne3A : i32
        %lt3A_605 = arith.constant 0 : i32
        %lt3A_606 = arith.cmpi slt, %rem3A, %lt3A_605 : i32
        %lt3A_607 = arith.constant 0 : i32
        %lt3A_608 = arith.cmpi slt, %select_n3A, %lt3A_607 : i32
        %ne3A_609 = arith.xori %lt3A_606, %lt3A_608 : i1
        %and3A_610 = arith.andi %ne3A_609, %ne3A_604 : i1
        %add3A_611 = arith.addi %rem3A, %select_n3A : i32
        %select_n3A_612 = arith.select %and3A_610, %add3A_611, %rem3A : i32
        %add3A_613 = arith.addi %mul3A_2, %sub3A_599 : i32
        %shift_right_arithmetic3A_614 = arith.constant 7 : i32
        %shift_right_arithmetic3A_615 = arith.shrsi %add3A_613, %shift_right_arithmetic3A_614 : i32
        %mul3A_616 = arith.constant 16384 : i32
        %mul3A_617 = arith.muli %shift_right_arithmetic3A_615, %mul3A_616 : i32
        %and3A_618 = arith.constant 127 : i32
        %and3A_619 = arith.andi %add3A_613, %and3A_618 : i32
        %mul3A_620 = arith.constant 128 : i32
        %mul3A_621 = arith.muli %and3A_619, %mul3A_620 : i32
        %add3A_622 = arith.addi %mul3A_617, %mul3A_621 : i32
        %dma_wait3A_623 = arith.constant 0 : i32
        %dma_wait3A_624 = arith.constant 0 : i32
        %dma_wait3A_625 = tpu.memref_slice %arg6[%select_n3A_612, %dma_wait3A_623, %dma_wait3A_624] : memref<5x128x128xf32, #tpu.memory_space<vmem>> -> memref<1x128x128xf32, #tpu.memory_space<vmem>>
        %dma_wait3A_626 = tpu.memref_squeeze %dma_wait3A_625 : memref<1x128x128xf32, #tpu.memory_space<vmem>> -> memref<128x128xf32, #tpu.memory_space<vmem>>
        %dma_wait3A_627 = arith.constant 0 : i32
        %dma_wait3A_628 = tpu.memref_slice %arg4[%add3A_622, %dma_wait3A_627] : memref<819200x128xf32, #tpu.memory_space<hbm>> -> memref<128x128xf32, #tpu.memory_space<hbm>>
        %dma_wait3A_629 = arith.constant 0 : i32
        %dma_wait3A_630 = tpu.memref_slice %arg4[%add3A_622, %dma_wait3A_629] : memref<819200x128xf32, #tpu.memory_space<hbm>> -> memref<128x128xf32, #tpu.memory_space<hbm>>
        %dma_wait3A_631 = arith.constant 0 : i32
        %dma_wait3A_632 = arith.constant 0 : i32
        %dma_wait3A_633 = tpu.memref_slice %arg6[%select_n3A_612, %dma_wait3A_631, %dma_wait3A_632] : memref<5x128x128xf32, #tpu.memory_space<vmem>> -> memref<1x128x128xf32, #tpu.memory_space<vmem>>
        %dma_wait3A_634 = tpu.memref_squeeze %dma_wait3A_633 : memref<1x128x128xf32, #tpu.memory_space<vmem>> -> memref<128x128xf32, #tpu.memory_space<vmem>>
        tpu.wait_dma2 semaphore(%arg9 : memref<!tpu.dma_semaphore, #tpu.memory_space<semaphore_mem>>) src(%dma_wait3A_634 : memref<128x128xf32, #tpu.memory_space<vmem>>) dst(%dma_wait3A_630 : memref<128x128xf32, #tpu.memory_space<hbm>>)
      } else {
      }
      %add3A_517 = arith.constant 1 : i32
      %add3A_518 = arith.addi %add3A_466, %add3A_517 : i32
      %lt3A_519 = arith.constant 200 : i32
      %lt3A_520 = arith.cmpi slt, %add3A_518, %lt3A_519 : i32
      %convert_element_type3A_521 = arith.extui %lt3A_520 : i1 to i32
      %cond3A_522 = arith.constant 0 : i32
      %cond3A_523 = arith.cmpi ne, %convert_element_type3A_521, %cond3A_522 : i32
      scf.if %cond3A_523 {
        %add3A_599 = arith.constant 1 : i32
        %add3A_600 = arith.addi %add3A_466, %add3A_599 : i32
        %jit3A = arith.constant 5 : i32
        %eq3A = arith.constant 0 : i32
        %eq3A_601 = arith.cmpi eq, %jit3A, %eq3A : i32
        %jit3A_602 = arith.constant 1 : i32
        %select_n3A = arith.select %eq3A_601, %jit3A_602, %jit3A : i32
        %rem3A = arith.remsi %add3A_600, %select_n3A : i32
        %ne3A = arith.constant 0 : i32
        %ne3A_603 = arith.cmpi ne, %rem3A, %ne3A : i32
        %lt3A_604 = arith.constant 0 : i32
        %lt3A_605 = arith.cmpi slt, %rem3A, %lt3A_604 : i32
        %lt3A_606 = arith.constant 0 : i32
        %lt3A_607 = arith.cmpi slt, %select_n3A, %lt3A_606 : i32
        %ne3A_608 = arith.xori %lt3A_605, %lt3A_607 : i1
        %and3A_609 = arith.andi %ne3A_608, %ne3A_603 : i1
        %add3A_610 = arith.addi %rem3A, %select_n3A : i32
        %select_n3A_611 = arith.select %and3A_609, %add3A_610, %rem3A : i32
        %dma_start3A_612 = arith.constant 0 : i32
        %dma_start3A_613 = arith.constant 0 : i32
        %dma_start3A_614 = tpu.memref_slice %arg6[%select_n3A_611, %dma_start3A_612, %dma_start3A_613] : memref<5x128x128xf32, #tpu.memory_space<vmem>> -> memref<1x128x128xf32, #tpu.memory_space<vmem>>
        %dma_start3A_615 = tpu.memref_squeeze %dma_start3A_614 : memref<1x128x128xf32, #tpu.memory_space<vmem>> -> memref<128x128xf32, #tpu.memory_space<vmem>>
        %dma_start3A_616 = arith.constant 0 : i32
        %dma_start3A_617 = tpu.memref_slice %arg5[%select_n3A_611, %dma_start3A_616] : memref<5x128xi32, #tpu.memory_space<vmem>> -> memref<1x128xi32, #tpu.memory_space<vmem>>
        %dma_start3A_618 = tpu.memref_squeeze %dma_start3A_617 : memref<1x128xi32, #tpu.memory_space<vmem>> -> memref<128xi32, #tpu.memory_space<vmem>>
        %dma_start3A_619 = arith.constant 0 : i32
        %dma_start3A_620 = arith.constant 0 : i32
        %dma_start3A_621 = tpu.memref_slice %arg3[%dma_start3A_619, %dma_start3A_620] : memref<1000000x128xf32, #tpu.memory_space<hbm>> -> memref<1000000x128xf32, #tpu.memory_space<hbm>>
        tpu.enqueue_indirect_dma source(%dma_start3A_621 : memref<1000000x128xf32, #tpu.memory_space<hbm>>) target(%dma_start3A_615 : memref<128x128xf32, #tpu.memory_space<vmem>>) offsets(%dma_start3A_618 : memref<128xi32, #tpu.memory_space<vmem>>) semaphore(%arg8 : memref<!tpu.dma_semaphore, #tpu.memory_space<semaphore_mem>>)
      } else {
      }
      %add3A_524 = arith.constant 5 : i32
      %add3A_525 = arith.addi %add3A_466, %add3A_524 : i32
      %lt3A_526 = arith.constant 200 : i32
      %lt3A_527 = arith.cmpi slt, %add3A_525, %lt3A_526 : i32
      %convert_element_type3A_528 = arith.extui %lt3A_527 : i1 to i32
      %cond3A_529 = arith.constant 0 : i32
      %cond3A_530 = arith.cmpi ne, %convert_element_type3A_528, %cond3A_529 : i32
      scf.if %cond3A_530 {
        %add3A_599 = arith.constant 5 : i32
        %add3A_600 = arith.addi %add3A_466, %add3A_599 : i32
        %add3A_601 = arith.addi %mul3A_2, %add3A_600 : i32
        %dma_start3A_602 = arith.constant 3 : i32
        %dma_start3A_603 = arith.constant 0 : i32
        %dma_start3A_604 = tpu.memref_slice %arg5[%dma_start3A_602, %dma_start3A_603] : memref<5x128xi32, #tpu.memory_space<vmem>> -> memref<1x128xi32, #tpu.memory_space<vmem>>
        %dma_start3A_605 = tpu.memref_squeeze %dma_start3A_604 : memref<1x128xi32, #tpu.memory_space<vmem>> -> memref<128xi32, #tpu.memory_space<vmem>>
        %dma_start3A_606 = arith.constant 0 : i32
        %dma_start3A_607 = tpu.memref_slice %arg2[%add3A_601, %dma_start3A_606] : memref<6400x128xi32, #tpu.memory_space<hbm>> -> memref<1x128xi32, #tpu.memory_space<hbm>>
        %dma_start3A_608 = tpu.memref_squeeze %dma_start3A_607 : memref<1x128xi32, #tpu.memory_space<hbm>> -> memref<128xi32, #tpu.memory_space<hbm>>
        %dma_start3A_609 = arith.constant 0 : i32
        %dma_start3A_610 = tpu.memref_slice %arg5[%dma_start3A_602, %dma_start3A_609] : memref<5x128xi32, #tpu.memory_space<vmem>> -> memref<1x128xi32, #tpu.memory_space<vmem>>
        %dma_start3A_611 = tpu.memref_squeeze %dma_start3A_610 : memref<1x128xi32, #tpu.memory_space<vmem>> -> memref<128xi32, #tpu.memory_space<vmem>>
        %dma_start3A_612 = arith.constant 0 : i32
        %dma_start3A_613 = tpu.memref_slice %arg2[%add3A_601, %dma_start3A_612] : memref<6400x128xi32, #tpu.memory_space<hbm>> -> memref<1x128xi32, #tpu.memory_space<hbm>>
        %dma_start3A_614 = tpu.memref_squeeze %dma_start3A_613 : memref<1x128xi32, #tpu.memory_space<hbm>> -> memref<128xi32, #tpu.memory_space<hbm>>
        tpu.enqueue_dma source(%dma_start3A_614 : memref<128xi32, #tpu.memory_space<hbm>>) target(%dma_start3A_611 : memref<128xi32, #tpu.memory_space<vmem>>) target_semaphore(%arg7 : memref<!tpu.dma_semaphore, #tpu.memory_space<semaphore_mem>>)
      } else {
      }
      %mul3A_531 = arith.constant 5 : i32
      %mul3A_532 = arith.muli %scan3A_262, %mul3A_531 : i32
      %add3A_533 = arith.constant 4 : i32
      %add3A_534 = arith.addi %mul3A_532, %add3A_533 : i32
      %ge3A_535 = arith.constant 4 : i32
      %ge3A_536 = arith.cmpi sge, %add3A_534, %ge3A_535 : i32
      %add3A_537 = arith.constant 1 : i32
      %add3A_538 = arith.addi %add3A_534, %add3A_537 : i32
      %lt3A_539 = arith.constant 200 : i32
      %lt3A_540 = arith.cmpi slt, %add3A_538, %lt3A_539 : i32
      %and3A_541 = arith.andi %ge3A_536, %lt3A_540 : i1
      %convert_element_type3A_542 = arith.extui %and3A_541 : i1 to i32
      %cond3A_543 = arith.constant 0 : i32
      %cond3A_544 = arith.cmpi ne, %convert_element_type3A_542, %cond3A_543 : i32
      scf.if %cond3A_544 {
        %add3A_599 = arith.constant 1 : i32
        %add3A_600 = arith.addi %add3A_534, %add3A_599 : i32
        %add3A_601 = arith.constant 1 : i32
        %add3A_602 = arith.addi %add3A_534, %add3A_601 : i32
        %jit3A = arith.constant 5 : i32
        %eq3A = arith.constant 0 : i32
        %eq3A_603 = arith.cmpi eq, %jit3A, %eq3A : i32
        %jit3A_604 = arith.constant 1 : i32
        %select_n3A = arith.select %eq3A_603, %jit3A_604, %jit3A : i32
        %rem3A = arith.remsi %add3A_602, %select_n3A : i32
        %ne3A = arith.constant 0 : i32
        %ne3A_605 = arith.cmpi ne, %rem3A, %ne3A : i32
        %lt3A_606 = arith.constant 0 : i32
        %lt3A_607 = arith.cmpi slt, %rem3A, %lt3A_606 : i32
        %lt3A_608 = arith.constant 0 : i32
        %lt3A_609 = arith.cmpi slt, %select_n3A, %lt3A_608 : i32
        %ne3A_610 = arith.xori %lt3A_607, %lt3A_609 : i1
        %and3A_611 = arith.andi %ne3A_610, %ne3A_605 : i1
        %add3A_612 = arith.addi %rem3A, %select_n3A : i32
        %select_n3A_613 = arith.select %and3A_611, %add3A_612, %rem3A : i32
        %add3A_614 = arith.addi %mul3A_2, %add3A_600 : i32
        %dma_wait3A_615 = arith.constant 0 : i32
        %dma_wait3A_616 = tpu.memref_slice %arg5[%select_n3A_613, %dma_wait3A_615] : memref<5x128xi32, #tpu.memory_space<vmem>> -> memref<1x128xi32, #tpu.memory_space<vmem>>
        %dma_wait3A_617 = tpu.memref_squeeze %dma_wait3A_616 : memref<1x128xi32, #tpu.memory_space<vmem>> -> memref<128xi32, #tpu.memory_space<vmem>>
        %dma_wait3A_618 = arith.constant 0 : i32
        %dma_wait3A_619 = tpu.memref_slice %arg2[%add3A_614, %dma_wait3A_618] : memref<6400x128xi32, #tpu.memory_space<hbm>> -> memref<1x128xi32, #tpu.memory_space<hbm>>
        %dma_wait3A_620 = tpu.memref_squeeze %dma_wait3A_619 : memref<1x128xi32, #tpu.memory_space<hbm>> -> memref<128xi32, #tpu.memory_space<hbm>>
        %dma_wait3A_621 = arith.constant 0 : i32
        %dma_wait3A_622 = tpu.memref_slice %arg5[%select_n3A_613, %dma_wait3A_621] : memref<5x128xi32, #tpu.memory_space<vmem>> -> memref<1x128xi32, #tpu.memory_space<vmem>>
        %dma_wait3A_623 = tpu.memref_squeeze %dma_wait3A_622 : memref<1x128xi32, #tpu.memory_space<vmem>> -> memref<128xi32, #tpu.memory_space<vmem>>
        %dma_wait3A_624 = arith.constant 0 : i32
        %dma_wait3A_625 = tpu.memref_slice %arg2[%add3A_614, %dma_wait3A_624] : memref<6400x128xi32, #tpu.memory_space<hbm>> -> memref<1x128xi32, #tpu.memory_space<hbm>>
        %dma_wait3A_626 = tpu.memref_squeeze %dma_wait3A_625 : memref<1x128xi32, #tpu.memory_space<hbm>> -> memref<128xi32, #tpu.memory_space<hbm>>
        tpu.wait_dma2 semaphore(%arg7 : memref<!tpu.dma_semaphore, #tpu.memory_space<semaphore_mem>>) src(%dma_wait3A_626 : memref<128xi32, #tpu.memory_space<hbm>>) dst(%dma_wait3A_623 : memref<128xi32, #tpu.memory_space<vmem>>)
      } else {
      }
      %dma_wait3A_545 = arith.constant 4 : i32
      %dma_wait3A_546 = arith.constant 4 : i32
      %dma_wait3A_547 = arith.constant 0 : i32
      %dma_wait3A_548 = arith.constant 0 : i32
      %dma_wait3A_549 = tpu.memref_slice %arg6[%dma_wait3A_546, %dma_wait3A_547, %dma_wait3A_548] : memref<5x128x128xf32, #tpu.memory_space<vmem>> -> memref<1x128x128xf32, #tpu.memory_space<vmem>>
      %dma_wait3A_550 = tpu.memref_squeeze %dma_wait3A_549 : memref<1x128x128xf32, #tpu.memory_space<vmem>> -> memref<128x128xf32, #tpu.memory_space<vmem>>
      %dma_wait3A_551 = arith.constant 0 : i32
      %dma_wait3A_552 = tpu.memref_slice %arg5[%dma_wait3A_545, %dma_wait3A_551] : memref<5x128xi32, #tpu.memory_space<vmem>> -> memref<1x128xi32, #tpu.memory_space<vmem>>
      %dma_wait3A_553 = tpu.memref_squeeze %dma_wait3A_552 : memref<1x128xi32, #tpu.memory_space<vmem>> -> memref<128xi32, #tpu.memory_space<vmem>>
      %dma_wait3A_554 = arith.constant 0 : i32
      %dma_wait3A_555 = arith.constant 0 : i32
      %dma_wait3A_556 = tpu.memref_slice %arg3[%dma_wait3A_554, %dma_wait3A_555] : memref<1000000x128xf32, #tpu.memory_space<hbm>> -> memref<1000000x128xf32, #tpu.memory_space<hbm>>
      tpu.wait_indirect_dma semaphore(%arg8 : memref<!tpu.dma_semaphore, #tpu.memory_space<semaphore_mem>>) src(%dma_wait3A_556 : memref<1000000x128xf32, #tpu.memory_space<hbm>>) dst(%dma_wait3A_550 : memref<128x128xf32, #tpu.memory_space<vmem>>)
      %add3A_557 = arith.addi %mul3A_2, %add3A_534 : i32
      %shift_right_arithmetic3A_558 = arith.constant 7 : i32
      %shift_right_arithmetic3A_559 = arith.shrsi %add3A_557, %shift_right_arithmetic3A_558 : i32
      %mul3A_560 = arith.constant 16384 : i32
      %mul3A_561 = arith.muli %shift_right_arithmetic3A_559, %mul3A_560 : i32
      %and3A_562 = arith.constant 127 : i32
      %and3A_563 = arith.andi %add3A_557, %and3A_562 : i32
      %mul3A_564 = arith.constant 128 : i32
      %mul3A_565 = arith.muli %and3A_563, %mul3A_564 : i32
      %add3A_566 = arith.addi %mul3A_561, %mul3A_565 : i32
      %dma_start3A_567 = arith.constant 4 : i32
      %dma_start3A_568 = arith.constant 0 : i32
      %dma_start3A_569 = arith.constant 0 : i32
      %dma_start3A_570 = tpu.memref_slice %arg6[%dma_start3A_567, %dma_start3A_568, %dma_start3A_569] : memref<5x128x128xf32, #tpu.memory_space<vmem>> -> memref<1x128x128xf32, #tpu.memory_space<vmem>>
      %dma_start3A_571 = tpu.memref_squeeze %dma_start3A_570 : memref<1x128x128xf32, #tpu.memory_space<vmem>> -> memref<128x128xf32, #tpu.memory_space<vmem>>
      %dma_start3A_572 = arith.constant 0 : i32
      %dma_start3A_573 = tpu.memref_slice %arg4[%add3A_566, %dma_start3A_572] : memref<819200x128xf32, #tpu.memory_space<hbm>> -> memref<128x128xf32, #tpu.memory_space<hbm>>
      %dma_start3A_574 = arith.constant 0 : i32
      %dma_start3A_575 = tpu.memref_slice %arg4[%add3A_566, %dma_start3A_574] : memref<819200x128xf32, #tpu.memory_space<hbm>> -> memref<128x128xf32, #tpu.memory_space<hbm>>
      %dma_start3A_576 = arith.constant 0 : i32
      %dma_start3A_577 = arith.constant 0 : i32
      %dma_start3A_578 = tpu.memref_slice %arg6[%dma_start3A_567, %dma_start3A_576, %dma_start3A_577] : memref<5x128x128xf32, #tpu.memory_space<vmem>> -> memref<1x128x128xf32, #tpu.memory_space<vmem>>
      %dma_start3A_579 = tpu.memref_squeeze %dma_start3A_578 : memref<1x128x128xf32, #tpu.memory_space<vmem>> -> memref<128x128xf32, #tpu.memory_space<vmem>>
      tpu.enqueue_dma source(%dma_start3A_579 : memref<128x128xf32, #tpu.memory_space<vmem>>) target(%dma_start3A_575 : memref<128x128xf32, #tpu.memory_space<hbm>>) target_semaphore(%arg9 : memref<!tpu.dma_semaphore, #tpu.memory_space<semaphore_mem>>)
      %ge3A_580 = arith.constant 4 : i32
      %ge3A_581 = arith.cmpi sge, %add3A_534, %ge3A_580 : i32
      %convert_element_type3A_582 = arith.extui %ge3A_581 : i1 to i32
      %cond3A_583 = arith.constant 0 : i32
      %cond3A_584 = arith.cmpi ne, %convert_element_type3A_582, %cond3A_583 : i32
      scf.if %cond3A_584 {
        %sub3A = arith.constant 4 : i32
        %sub3A_599 = arith.subi %add3A_534, %sub3A : i32
        %add3A_600 = arith.constant 1 : i32
        %add3A_601 = arith.addi %add3A_534, %add3A_600 : i32
        %jit3A = arith.constant 5 : i32
        %eq3A = arith.constant 0 : i32
        %eq3A_602 = arith.cmpi eq, %jit3A, %eq3A : i32
        %jit3A_603 = arith.constant 1 : i32
        %select_n3A = arith.select %eq3A_602, %jit3A_603, %jit3A : i32
        %rem3A = arith.remsi %add3A_601, %select_n3A : i32
        %ne3A = arith.constant 0 : i32
        %ne3A_604 = arith.cmpi ne, %rem3A, %ne3A : i32
        %lt3A_605 = arith.constant 0 : i32
        %lt3A_606 = arith.cmpi slt, %rem3A, %lt3A_605 : i32
        %lt3A_607 = arith.constant 0 : i32
        %lt3A_608 = arith.cmpi slt, %select_n3A, %lt3A_607 : i32
        %ne3A_609 = arith.xori %lt3A_606, %lt3A_608 : i1
        %and3A_610 = arith.andi %ne3A_609, %ne3A_604 : i1
        %add3A_611 = arith.addi %rem3A, %select_n3A : i32
        %select_n3A_612 = arith.select %and3A_610, %add3A_611, %rem3A : i32
        %add3A_613 = arith.addi %mul3A_2, %sub3A_599 : i32
        %shift_right_arithmetic3A_614 = arith.constant 7 : i32
        %shift_right_arithmetic3A_615 = arith.shrsi %add3A_613, %shift_right_arithmetic3A_614 : i32
        %mul3A_616 = arith.constant 16384 : i32
        %mul3A_617 = arith.muli %shift_right_arithmetic3A_615, %mul3A_616 : i32
        %and3A_618 = arith.constant 127 : i32
        %and3A_619 = arith.andi %add3A_613, %and3A_618 : i32
        %mul3A_620 = arith.constant 128 : i32
        %mul3A_621 = arith.muli %and3A_619, %mul3A_620 : i32
        %add3A_622 = arith.addi %mul3A_617, %mul3A_621 : i32
        %dma_wait3A_623 = arith.constant 0 : i32
        %dma_wait3A_624 = arith.constant 0 : i32
        %dma_wait3A_625 = tpu.memref_slice %arg6[%select_n3A_612, %dma_wait3A_623, %dma_wait3A_624] : memref<5x128x128xf32, #tpu.memory_space<vmem>> -> memref<1x128x128xf32, #tpu.memory_space<vmem>>
        %dma_wait3A_626 = tpu.memref_squeeze %dma_wait3A_625 : memref<1x128x128xf32, #tpu.memory_space<vmem>> -> memref<128x128xf32, #tpu.memory_space<vmem>>
        %dma_wait3A_627 = arith.constant 0 : i32
        %dma_wait3A_628 = tpu.memref_slice %arg4[%add3A_622, %dma_wait3A_627] : memref<819200x128xf32, #tpu.memory_space<hbm>> -> memref<128x128xf32, #tpu.memory_space<hbm>>
        %dma_wait3A_629 = arith.constant 0 : i32
        %dma_wait3A_630 = tpu.memref_slice %arg4[%add3A_622, %dma_wait3A_629] : memref<819200x128xf32, #tpu.memory_space<hbm>> -> memref<128x128xf32, #tpu.memory_space<hbm>>
        %dma_wait3A_631 = arith.constant 0 : i32
        %dma_wait3A_632 = arith.constant 0 : i32
        %dma_wait3A_633 = tpu.memref_slice %arg6[%select_n3A_612, %dma_wait3A_631, %dma_wait3A_632] : memref<5x128x128xf32, #tpu.memory_space<vmem>> -> memref<1x128x128xf32, #tpu.memory_space<vmem>>
        %dma_wait3A_634 = tpu.memref_squeeze %dma_wait3A_633 : memref<1x128x128xf32, #tpu.memory_space<vmem>> -> memref<128x128xf32, #tpu.memory_space<vmem>>
        tpu.wait_dma2 semaphore(%arg9 : memref<!tpu.dma_semaphore, #tpu.memory_space<semaphore_mem>>) src(%dma_wait3A_634 : memref<128x128xf32, #tpu.memory_space<vmem>>) dst(%dma_wait3A_630 : memref<128x128xf32, #tpu.memory_space<hbm>>)
      } else {
      }
      %add3A_585 = arith.constant 1 : i32
      %add3A_586 = arith.addi %add3A_534, %add3A_585 : i32
      %lt3A_587 = arith.constant 200 : i32
      %lt3A_588 = arith.cmpi slt, %add3A_586, %lt3A_587 : i32
      %convert_element_type3A_589 = arith.extui %lt3A_588 : i1 to i32
      %cond3A_590 = arith.constant 0 : i32
      %cond3A_591 = arith.cmpi ne, %convert_element_type3A_589, %cond3A_590 : i32
      scf.if %cond3A_591 {
        %add3A_599 = arith.constant 1 : i32
        %add3A_600 = arith.addi %add3A_534, %add3A_599 : i32
        %jit3A = arith.constant 5 : i32
        %eq3A = arith.constant 0 : i32
        %eq3A_601 = arith.cmpi eq, %jit3A, %eq3A : i32
        %jit3A_602 = arith.constant 1 : i32
        %select_n3A = arith.select %eq3A_601, %jit3A_602, %jit3A : i32
        %rem3A = arith.remsi %add3A_600, %select_n3A : i32
        %ne3A = arith.constant 0 : i32
        %ne3A_603 = arith.cmpi ne, %rem3A, %ne3A : i32
        %lt3A_604 = arith.constant 0 : i32
        %lt3A_605 = arith.cmpi slt, %rem3A, %lt3A_604 : i32
        %lt3A_606 = arith.constant 0 : i32
        %lt3A_607 = arith.cmpi slt, %select_n3A, %lt3A_606 : i32
        %ne3A_608 = arith.xori %lt3A_605, %lt3A_607 : i1
        %and3A_609 = arith.andi %ne3A_608, %ne3A_603 : i1
        %add3A_610 = arith.addi %rem3A, %select_n3A : i32
        %select_n3A_611 = arith.select %and3A_609, %add3A_610, %rem3A : i32
        %dma_start3A_612 = arith.constant 0 : i32
        %dma_start3A_613 = arith.constant 0 : i32
        %dma_start3A_614 = tpu.memref_slice %arg6[%select_n3A_611, %dma_start3A_612, %dma_start3A_613] : memref<5x128x128xf32, #tpu.memory_space<vmem>> -> memref<1x128x128xf32, #tpu.memory_space<vmem>>
        %dma_start3A_615 = tpu.memref_squeeze %dma_start3A_614 : memref<1x128x128xf32, #tpu.memory_space<vmem>> -> memref<128x128xf32, #tpu.memory_space<vmem>>
        %dma_start3A_616 = arith.constant 0 : i32
        %dma_start3A_617 = tpu.memref_slice %arg5[%select_n3A_611, %dma_start3A_616] : memref<5x128xi32, #tpu.memory_space<vmem>> -> memref<1x128xi32, #tpu.memory_space<vmem>>
        %dma_start3A_618 = tpu.memref_squeeze %dma_start3A_617 : memref<1x128xi32, #tpu.memory_space<vmem>> -> memref<128xi32, #tpu.memory_space<vmem>>
        %dma_start3A_619 = arith.constant 0 : i32
        %dma_start3A_620 = arith.constant 0 : i32
        %dma_start3A_621 = tpu.memref_slice %arg3[%dma_start3A_619, %dma_start3A_620] : memref<1000000x128xf32, #tpu.memory_space<hbm>> -> memref<1000000x128xf32, #tpu.memory_space<hbm>>
        tpu.enqueue_indirect_dma source(%dma_start3A_621 : memref<1000000x128xf32, #tpu.memory_space<hbm>>) target(%dma_start3A_615 : memref<128x128xf32, #tpu.memory_space<vmem>>) offsets(%dma_start3A_618 : memref<128xi32, #tpu.memory_space<vmem>>) semaphore(%arg8 : memref<!tpu.dma_semaphore, #tpu.memory_space<semaphore_mem>>)
      } else {
      }
      %add3A_592 = arith.constant 5 : i32
      %add3A_593 = arith.addi %add3A_534, %add3A_592 : i32
      %lt3A_594 = arith.constant 200 : i32
      %lt3A_595 = arith.cmpi slt, %add3A_593, %lt3A_594 : i32
      %convert_element_type3A_596 = arith.extui %lt3A_595 : i1 to i32
      %cond3A_597 = arith.constant 0 : i32
      %cond3A_598 = arith.cmpi ne, %convert_element_type3A_596, %cond3A_597 : i32
      scf.if %cond3A_598 {
        %add3A_599 = arith.constant 5 : i32
        %add3A_600 = arith.addi %add3A_534, %add3A_599 : i32
        %add3A_601 = arith.addi %mul3A_2, %add3A_600 : i32
        %dma_start3A_602 = arith.constant 4 : i32
        %dma_start3A_603 = arith.constant 0 : i32
        %dma_start3A_604 = tpu.memref_slice %arg5[%dma_start3A_602, %dma_start3A_603] : memref<5x128xi32, #tpu.memory_space<vmem>> -> memref<1x128xi32, #tpu.memory_space<vmem>>
        %dma_start3A_605 = tpu.memref_squeeze %dma_start3A_604 : memref<1x128xi32, #tpu.memory_space<vmem>> -> memref<128xi32, #tpu.memory_space<vmem>>
        %dma_start3A_606 = arith.constant 0 : i32
        %dma_start3A_607 = tpu.memref_slice %arg2[%add3A_601, %dma_start3A_606] : memref<6400x128xi32, #tpu.memory_space<hbm>> -> memref<1x128xi32, #tpu.memory_space<hbm>>
        %dma_start3A_608 = tpu.memref_squeeze %dma_start3A_607 : memref<1x128xi32, #tpu.memory_space<hbm>> -> memref<128xi32, #tpu.memory_space<hbm>>
        %dma_start3A_609 = arith.constant 0 : i32
        %dma_start3A_610 = tpu.memref_slice %arg5[%dma_start3A_602, %dma_start3A_609] : memref<5x128xi32, #tpu.memory_space<vmem>> -> memref<1x128xi32, #tpu.memory_space<vmem>>
        %dma_start3A_611 = tpu.memref_squeeze %dma_start3A_610 : memref<1x128xi32, #tpu.memory_space<vmem>> -> memref<128xi32, #tpu.memory_space<vmem>>
        %dma_start3A_612 = arith.constant 0 : i32
        %dma_start3A_613 = tpu.memref_slice %arg2[%add3A_601, %dma_start3A_612] : memref<6400x128xi32, #tpu.memory_space<hbm>> -> memref<1x128xi32, #tpu.memory_space<hbm>>
        %dma_start3A_614 = tpu.memref_squeeze %dma_start3A_613 : memref<1x128xi32, #tpu.memory_space<hbm>> -> memref<128xi32, #tpu.memory_space<hbm>>
        tpu.enqueue_dma source(%dma_start3A_614 : memref<128xi32, #tpu.memory_space<hbm>>) target(%dma_start3A_611 : memref<128xi32, #tpu.memory_space<vmem>>) target_semaphore(%arg7 : memref<!tpu.dma_semaphore, #tpu.memory_space<semaphore_mem>>)
      } else {
      }
    }
    %scan3A_167 = arith.constant 40 : i32
    %add3A_168 = arith.constant 196 : i32
    %add3A_169 = arith.addi %mul3A_2, %add3A_168 : i32
    %shift_right_arithmetic3A = arith.constant 7 : i32
    %shift_right_arithmetic3A_170 = arith.shrsi %add3A_169, %shift_right_arithmetic3A : i32
    %mul3A_171 = arith.constant 16384 : i32
    %mul3A_172 = arith.muli %shift_right_arithmetic3A_170, %mul3A_171 : i32
    %and3A = arith.constant 127 : i32
    %and3A_173 = arith.andi %add3A_169, %and3A : i32
    %mul3A_174 = arith.constant 128 : i32
    %mul3A_175 = arith.muli %and3A_173, %mul3A_174 : i32
    %add3A_176 = arith.addi %mul3A_172, %mul3A_175 : i32
    %dma_wait3A_177 = arith.constant 1 : i32
    %dma_wait3A_178 = arith.constant 0 : i32
    %dma_wait3A_179 = arith.constant 0 : i32
    %dma_wait3A_180 = tpu.memref_slice %arg6[%dma_wait3A_177, %dma_wait3A_178, %dma_wait3A_179] : memref<5x128x128xf32, #tpu.memory_space<vmem>> -> memref<1x128x128xf32, #tpu.memory_space<vmem>>
    %dma_wait3A_181 = tpu.memref_squeeze %dma_wait3A_180 : memref<1x128x128xf32, #tpu.memory_space<vmem>> -> memref<128x128xf32, #tpu.memory_space<vmem>>
    %dma_wait3A_182 = arith.constant 0 : i32
    %dma_wait3A_183 = tpu.memref_slice %arg4[%add3A_176, %dma_wait3A_182] : memref<819200x128xf32, #tpu.memory_space<hbm>> -> memref<128x128xf32, #tpu.memory_space<hbm>>
    %dma_wait3A_184 = arith.constant 0 : i32
    %dma_wait3A_185 = tpu.memref_slice %arg4[%add3A_176, %dma_wait3A_184] : memref<819200x128xf32, #tpu.memory_space<hbm>> -> memref<128x128xf32, #tpu.memory_space<hbm>>
    %dma_wait3A_186 = arith.constant 0 : i32
    %dma_wait3A_187 = arith.constant 0 : i32
    %dma_wait3A_188 = tpu.memref_slice %arg6[%dma_wait3A_177, %dma_wait3A_186, %dma_wait3A_187] : memref<5x128x128xf32, #tpu.memory_space<vmem>> -> memref<1x128x128xf32, #tpu.memory_space<vmem>>
    %dma_wait3A_189 = tpu.memref_squeeze %dma_wait3A_188 : memref<1x128x128xf32, #tpu.memory_space<vmem>> -> memref<128x128xf32, #tpu.memory_space<vmem>>
    tpu.wait_dma2 semaphore(%arg9 : memref<!tpu.dma_semaphore, #tpu.memory_space<semaphore_mem>>) src(%dma_wait3A_189 : memref<128x128xf32, #tpu.memory_space<vmem>>) dst(%dma_wait3A_185 : memref<128x128xf32, #tpu.memory_space<hbm>>)
    %add3A_190 = arith.constant 197 : i32
    %add3A_191 = arith.addi %mul3A_2, %add3A_190 : i32
    %shift_right_arithmetic3A_192 = arith.constant 7 : i32
    %shift_right_arithmetic3A_193 = arith.shrsi %add3A_191, %shift_right_arithmetic3A_192 : i32
    %mul3A_194 = arith.constant 16384 : i32
    %mul3A_195 = arith.muli %shift_right_arithmetic3A_193, %mul3A_194 : i32
    %and3A_196 = arith.constant 127 : i32
    %and3A_197 = arith.andi %add3A_191, %and3A_196 : i32
    %mul3A_198 = arith.constant 128 : i32
    %mul3A_199 = arith.muli %and3A_197, %mul3A_198 : i32
    %add3A_200 = arith.addi %mul3A_195, %mul3A_199 : i32
    %dma_wait3A_201 = arith.constant 2 : i32
    %dma_wait3A_202 = arith.constant 0 : i32
    %dma_wait3A_203 = arith.constant 0 : i32
    %dma_wait3A_204 = tpu.memref_slice %arg6[%dma_wait3A_201, %dma_wait3A_202, %dma_wait3A_203] : memref<5x128x128xf32, #tpu.memory_space<vmem>> -> memref<1x128x128xf32, #tpu.memory_space<vmem>>
    %dma_wait3A_205 = tpu.memref_squeeze %dma_wait3A_204 : memref<1x128x128xf32, #tpu.memory_space<vmem>> -> memref<128x128xf32, #tpu.memory_space<vmem>>
    %dma_wait3A_206 = arith.constant 0 : i32
    %dma_wait3A_207 = tpu.memref_slice %arg4[%add3A_200, %dma_wait3A_206] : memref<819200x128xf32, #tpu.memory_space<hbm>> -> memref<128x128xf32, #tpu.memory_space<hbm>>
    %dma_wait3A_208 = arith.constant 0 : i32
    %dma_wait3A_209 = tpu.memref_slice %arg4[%add3A_200, %dma_wait3A_208] : memref<819200x128xf32, #tpu.memory_space<hbm>> -> memref<128x128xf32, #tpu.memory_space<hbm>>
    %dma_wait3A_210 = arith.constant 0 : i32
    %dma_wait3A_211 = arith.constant 0 : i32
    %dma_wait3A_212 = tpu.memref_slice %arg6[%dma_wait3A_201, %dma_wait3A_210, %dma_wait3A_211] : memref<5x128x128xf32, #tpu.memory_space<vmem>> -> memref<1x128x128xf32, #tpu.memory_space<vmem>>
    %dma_wait3A_213 = tpu.memref_squeeze %dma_wait3A_212 : memref<1x128x128xf32, #tpu.memory_space<vmem>> -> memref<128x128xf32, #tpu.memory_space<vmem>>
    tpu.wait_dma2 semaphore(%arg9 : memref<!tpu.dma_semaphore, #tpu.memory_space<semaphore_mem>>) src(%dma_wait3A_213 : memref<128x128xf32, #tpu.memory_space<vmem>>) dst(%dma_wait3A_209 : memref<128x128xf32, #tpu.memory_space<hbm>>)
    %add3A_214 = arith.constant 198 : i32
    %add3A_215 = arith.addi %mul3A_2, %add3A_214 : i32
    %shift_right_arithmetic3A_216 = arith.constant 7 : i32
    %shift_right_arithmetic3A_217 = arith.shrsi %add3A_215, %shift_right_arithmetic3A_216 : i32
    %mul3A_218 = arith.constant 16384 : i32
    %mul3A_219 = arith.muli %shift_right_arithmetic3A_217, %mul3A_218 : i32
    %and3A_220 = arith.constant 127 : i32
    %and3A_221 = arith.andi %add3A_215, %and3A_220 : i32
    %mul3A_222 = arith.constant 128 : i32
    %mul3A_223 = arith.muli %and3A_221, %mul3A_222 : i32
    %add3A_224 = arith.addi %mul3A_219, %mul3A_223 : i32
    %dma_wait3A_225 = arith.constant 3 : i32
    %dma_wait3A_226 = arith.constant 0 : i32
    %dma_wait3A_227 = arith.constant 0 : i32
    %dma_wait3A_228 = tpu.memref_slice %arg6[%dma_wait3A_225, %dma_wait3A_226, %dma_wait3A_227] : memref<5x128x128xf32, #tpu.memory_space<vmem>> -> memref<1x128x128xf32, #tpu.memory_space<vmem>>
    %dma_wait3A_229 = tpu.memref_squeeze %dma_wait3A_228 : memref<1x128x128xf32, #tpu.memory_space<vmem>> -> memref<128x128xf32, #tpu.memory_space<vmem>>
    %dma_wait3A_230 = arith.constant 0 : i32
    %dma_wait3A_231 = tpu.memref_slice %arg4[%add3A_224, %dma_wait3A_230] : memref<819200x128xf32, #tpu.memory_space<hbm>> -> memref<128x128xf32, #tpu.memory_space<hbm>>
    %dma_wait3A_232 = arith.constant 0 : i32
    %dma_wait3A_233 = tpu.memref_slice %arg4[%add3A_224, %dma_wait3A_232] : memref<819200x128xf32, #tpu.memory_space<hbm>> -> memref<128x128xf32, #tpu.memory_space<hbm>>
    %dma_wait3A_234 = arith.constant 0 : i32
    %dma_wait3A_235 = arith.constant 0 : i32
    %dma_wait3A_236 = tpu.memref_slice %arg6[%dma_wait3A_225, %dma_wait3A_234, %dma_wait3A_235] : memref<5x128x128xf32, #tpu.memory_space<vmem>> -> memref<1x128x128xf32, #tpu.memory_space<vmem>>
    %dma_wait3A_237 = tpu.memref_squeeze %dma_wait3A_236 : memref<1x128x128xf32, #tpu.memory_space<vmem>> -> memref<128x128xf32, #tpu.memory_space<vmem>>
    tpu.wait_dma2 semaphore(%arg9 : memref<!tpu.dma_semaphore, #tpu.memory_space<semaphore_mem>>) src(%dma_wait3A_237 : memref<128x128xf32, #tpu.memory_space<vmem>>) dst(%dma_wait3A_233 : memref<128x128xf32, #tpu.memory_space<hbm>>)
    %add3A_238 = arith.constant 199 : i32
    %add3A_239 = arith.addi %mul3A_2, %add3A_238 : i32
    %shift_right_arithmetic3A_240 = arith.constant 7 : i32
    %shift_right_arithmetic3A_241 = arith.shrsi %add3A_239, %shift_right_arithmetic3A_240 : i32
    %mul3A_242 = arith.constant 16384 : i32
    %mul3A_243 = arith.muli %shift_right_arithmetic3A_241, %mul3A_242 : i32
    %and3A_244 = arith.constant 127 : i32
    %and3A_245 = arith.andi %add3A_239, %and3A_244 : i32
    %mul3A_246 = arith.constant 128 : i32
    %mul3A_247 = arith.muli %and3A_245, %mul3A_246 : i32
    %add3A_248 = arith.addi %mul3A_243, %mul3A_247 : i32
    %dma_wait3A_249 = arith.constant 4 : i32
    %dma_wait3A_250 = arith.constant 0 : i32
    %dma_wait3A_251 = arith.constant 0 : i32
    %dma_wait3A_252 = tpu.memref_slice %arg6[%dma_wait3A_249, %dma_wait3A_250, %dma_wait3A_251] : memref<5x128x128xf32, #tpu.memory_space<vmem>> -> memref<1x128x128xf32, #tpu.memory_space<vmem>>
    %dma_wait3A_253 = tpu.memref_squeeze %dma_wait3A_252 : memref<1x128x128xf32, #tpu.memory_space<vmem>> -> memref<128x128xf32, #tpu.memory_space<vmem>>
    %dma_wait3A_254 = arith.constant 0 : i32
    %dma_wait3A_255 = tpu.memref_slice %arg4[%add3A_248, %dma_wait3A_254] : memref<819200x128xf32, #tpu.memory_space<hbm>> -> memref<128x128xf32, #tpu.memory_space<hbm>>
    %dma_wait3A_256 = arith.constant 0 : i32
    %dma_wait3A_257 = tpu.memref_slice %arg4[%add3A_248, %dma_wait3A_256] : memref<819200x128xf32, #tpu.memory_space<hbm>> -> memref<128x128xf32, #tpu.memory_space<hbm>>
    %dma_wait3A_258 = arith.constant 0 : i32
    %dma_wait3A_259 = arith.constant 0 : i32
    %dma_wait3A_260 = tpu.memref_slice %arg6[%dma_wait3A_249, %dma_wait3A_258, %dma_wait3A_259] : memref<5x128x128xf32, #tpu.memory_space<vmem>> -> memref<1x128x128xf32, #tpu.memory_space<vmem>>
    %dma_wait3A_261 = tpu.memref_squeeze %dma_wait3A_260 : memref<1x128x128xf32, #tpu.memory_space<vmem>> -> memref<128x128xf32, #tpu.memory_space<vmem>>
    tpu.wait_dma2 semaphore(%arg9 : memref<!tpu.dma_semaphore, #tpu.memory_space<semaphore_mem>>) src(%dma_wait3A_261 : memref<128x128xf32, #tpu.memory_space<vmem>>) dst(%dma_wait3A_257 : memref<128x128xf32, #tpu.memory_space<hbm>>)
    return
  }
}

</mosaic_0001>

<sc_bundles>
// kernel: kernel.3.cloned.1.call-start
scs
__scs_entry_jumppad:
0x0: {  	(pc) =	sbr.rel $0x88, $3  }
0x1: {  	(tag) =	ssettag $0x0;
	lr =	simm.s32 $0x1  }
0x2: {  	[smem:$0x3F9F] =	sst lr;
	_ =	strace $0xD0000000  }
0x3: {  	_ = 	snop  }
0x4: {  	_ = 	snop  }
0x5: {  	_ = 	snop  }
0x6: {  	_ = 	snop  }
0x7: {  	_ = 	snop  }
__scs_overlays_trampoline_lowered:
0x8: {  	[smem:$0x3FAE] =	sst s0  }
0x9: {  	[smem:$0x3FAF] =	sst s1  }
0xa: {  	[smem:$0x3FB0] =	sst s2  }
0xb: {  	[smem:$0x3FB1] =	sst s3  }
0xc: {  	[smem:$0x3FB2] =	sst s4  }
0xd: {  	[smem:$0x3FB3] =	sst s5  }
0xe: {  	[smem:$0x3FB4] =	sst s6  }
0xf: {  	[smem:$0x3FB5] =	sst s7  }
0x10: {  	[smem:$0x3FB6] =	sst s8  }
0x11: {  	[smem:$0x3FB7] =	sst s9;
	s0 =	simm.s32 @!p0 $0x0  }
0x12: {  	s1 =	sld [smem:$0x3F9D];
	s0 =	simm.s32 @p0 $0x1  }
0x13: {  	[smem:$0x3FB8] =	sst s0;
	s0 =	simm.s32 @!p1 $0x0  }
0x14: {  	s2 =	sld [smem:$0x3F9C];
	s0 =	simm.s32 @p1 $0x1  }
0x15: {  	[smem:$0x3FB9] =	sst s0;
	s0 =	simm.s32 @!p2 $0x0  }
0x16: {  	s3 =	sld [smem:$0x3FDB];
	s0 =	simm.s32 @p2 $0x1  }
0x17: {  	s4 =	simm.s32 $0x1BF5;
	[smem:$0x3FBB] =	sst s0  }
0x18: {  	s0 =	sld [smem:$0x3F9E];
	_ =	swait.ge [sflag:s4], $0x0  }
0x19: {  	s7 =	sld [smem:$0x3F9F]  }
0x1a: {  	s8 =	sadd.s32 $0xFFFFE003, lr  }
0x1b: {  	s9 =	sadd.s32 $0xFFFFFEF7, lr;
	s5 =	simm.s32 $0xFFFFFFFF;
	p2 =	slt.u32 s8, $0xFFFFF086  }
0x1c: {  	p1 =	slt.u32 s9, $0xF7A;
	s5 =	simm.s32 @!p2 $0x0  }
0x1d: {  	s5 =	simm.s32 @p1 $0x1;
	p0 =	seq.s32 s7, s2  }
0x1e: {  	s7 =	smul.u32 @!p0 $0xF7A, s2;
	p2 =	seq.s32 @!p0 s5, $0x0  }
0x1f: {  	s9 =	smul.u32 $0xF7A, s1;
	s8 =	simm.s32 @!p0 $0x1BF5;
	p2 =	por !p2, p0  }
0x20: {  	[sflag:s8] =	ssyncset.s32 @!p0 $0xFFFFF086;
	s6 =	sadd.s32 @!p0 s3, s7;
	s7 =	simm.s32 @!p0 $0x108  }
0x21: {  	s3 =	sadd.s32 s3, s9;
	s6 =	sadd.s32 @!p0 $0x88, s6;
	s7 =	simm.s32 @p2 $0x1082  }
0x22: {  	[simem:s7], [sflag:s8] =	dma.local @!p0 [hbm:s6], $0xF7A  }
0x23: {  	s9 =	sor.u32 $0xD0000000, s2;
	s6 =	simm.s32 $0x108;
	_ =	swait.ge @!p0 [sflag:s8], $0x0  }
0x24: {  	s3 =	sadd.s32 $0x88, s3;
	s6 =	simm.s32 @!p1 $0x1082;
	[sflag:s4] =	ssyncset.s32 $0xFFFFF086  }
0x25: {  	[simem:s6], [sflag:s4] =	dma.local [hbm:s3], $0xF7A  }
0x26: {  	[smem:$0x3F9F] =	sst s1;
	(tag) =	ssettag s2;
	_ =	strace s9  }
0x27: {  	s1 =	sld [smem:$0x3FAF]  }
0x28: {  	s2 =	sld [smem:$0x3FB0]  }
0x29: {  	s4 =	sld [smem:$0x3FB2]  }
0x2a: {  	p0 =	seq.s32 s5, $0x0;
	s5 =	sld [smem:$0x3FB3]  }
0x2b: {  	s6 =	sld [smem:$0x3FB4]  }
0x2c: {  	s7 =	sld [smem:$0x3FB5]  }
0x2d: {  	s3 =	simm.s32 $0x108;
	s8 =	sld [smem:$0x3FB6]  }
0x2e: {  	s3 =	simm.s32 @!p0 $0x1082;
	s9 =	sld [smem:$0x3FB7]  }
0x2f: {  	lr =	sadd.s32 s0, s3;
	s0 =	sld [smem:$0x3FAE]  }
0x30: {  	s3 =	sld [smem:$0x3FB1]  }
0x31: {  	[smem:$0x3FBA] =	sst s10  }
0x32: {  	s10 =	sld [smem:$0x3FB8];
	_ =	sdelay $0x3  }
0x33: {  	p0 =	seq.s32 s10, $0x1;
	s10 =	sld [smem:$0x3FBA];
	_ =	sdelay $0x3  }
0x34: {  	[smem:$0x3FBA] =	sst s10  }
0x35: {  	s10 =	sld [smem:$0x3FB9];
	_ =	sdelay $0x3  }
0x36: {  	p1 =	seq.s32 s10, $0x1;
	s10 =	sld [smem:$0x3FBA];
	_ =	sdelay $0x3  }
0x37: {  	[smem:$0x3FBA] =	sst s10  }
0x38: {  	s10 =	sld [smem:$0x3FBB]  }
0x39: {  	_ = 	snop;
	(pc) =	sbr.ind lr, $3  }
0x3a: {  	_ = 	snop  }
0x3b: {  	_ = 	snop  }
0x3c: {  	p2 =	seq.s32 s10, $0x1;
	s10 =	sld [smem:$0x3FBA]  }
0x3d: {  	_ =	shalt  }
0x3e: {  	_ =	shalt  }
0x3f: {  	_ =	shalt  }
0x40: {  	_ =	shalt  }
0x41: {  	_ =	shalt  }
0x42: {  	_ =	shalt  }
0x43: {  	_ =	shalt  }
0x44: {  	_ =	shalt  }
0x45: {  	_ =	shalt  }
0x46: {  	_ =	shalt  }
0x47: {  	_ =	shalt  }
0x48: {  	_ =	shalt  }
0x49: {  	_ =	shalt  }
0x4a: {  	_ =	shalt  }
0x4b: {  	_ =	shalt  }
0x4c: {  	_ =	shalt  }
0x4d: {  	_ =	shalt  }
0x4e: {  	_ =	shalt  }
0x4f: {  	_ =	shalt  }
0x50: {  	_ =	shalt  }
0x51: {  	_ =	shalt  }
0x52: {  	_ =	shalt  }
0x53: {  	_ =	shalt  }
0x54: {  	_ =	shalt  }
0x55: {  	_ =	shalt  }
0x56: {  	_ =	shalt  }
0x57: {  	_ =	shalt  }
0x58: {  	_ =	shalt  }
0x59: {  	_ =	shalt  }
0x5a: {  	_ =	shalt  }
0x5b: {  	_ =	shalt  }
0x5c: {  	_ =	shalt  }
0x5d: {  	_ =	shalt  }
0x5e: {  	_ =	shalt  }
0x5f: {  	_ =	shalt  }
0x60: {  	_ =	shalt  }
0x61: {  	_ =	shalt  }
0x62: {  	_ =	shalt  }
0x63: {  	_ =	shalt  }
0x64: {  	_ =	shalt  }
0x65: {  	_ =	shalt  }
0x66: {  	_ =	shalt  }
0x67: {  	_ =	shalt  }
0x68: {  	_ =	shalt  }
0x69: {  	_ =	shalt  }
0x6a: {  	_ =	shalt  }
0x6b: {  	_ =	shalt  }
0x6c: {  	_ =	shalt  }
0x6d: {  	_ =	shalt  }
0x6e: {  	_ =	shalt  }
0x6f: {  	_ =	shalt  }
0x70: {  	_ =	shalt  }
0x71: {  	_ =	shalt  }
0x72: {  	_ =	shalt  }
0x73: {  	_ =	shalt  }
0x74: {  	_ =	shalt  }
0x75: {  	_ =	shalt  }
0x76: {  	_ =	shalt  }
0x77: {  	_ =	shalt  }
0x78: {  	_ =	shalt  }
0x79: {  	_ =	shalt  }
0x7a: {  	_ =	shalt  }
0x7b: {  	_ =	shalt  }
0x7c: {  	_ =	shalt  }
0x7d: {  	_ =	shalt  }
0x7e: {  	_ =	shalt  }
0x7f: {  	_ =	shalt  }
0x80: {  	_ =	shalt  }
0x81: {  	_ =	shalt  }
0x82: {  	_ =	shalt  }
0x83: {  	_ =	shalt  }
0x84: {  	_ =	shalt  }
0x85: {  	_ =	shalt  }
0x86: {  	_ =	shalt  }
0x87: {  	_ =	shalt  }
.Lfunc_end0:
.L_simem_size_0:
called_computation.1_lowered:
.L_overlay_start_0:
0x88: {  	s2 =	sld [smem:$0x3FD9]  }
0x89: {  	s3 =	sld [smem:$0x3FFE];
	_ =	sdelay $0x1  }
0x8a: {  	s1 =	srdreg.scid  }
0x8b: {  	s0 =	sand.u32 $0x1, s1  }
0x8c: {  	s17 =	sshll.u32 s0, $0xA;
	s2 =	sadd.s32 s3, s2  }
0x8d: {  	s2 =	sadd.s32 s2, s17  }
0x8e: {  	[smem:$0x3FC6] =	sst s2  }
0x8f: {  	_ = 	snop  }
0x90: {  	s2 =	sld [smem:$0x3FD0];
	(tm) =	ssettm $0x1  }
0x91: {  	s18 =	sld [smem:$0x3FFB];
	_ =	sdelay $0x3  }
0x92: {  	_ =	strace s18  }
0x93: {  	s3 =	sld [smem:$0x3FFC];
	_ =	sdelay $0x3  }
0x94: {  	_ =	strace s3  }
0x95: {  	s3 =	sld [smem:$0x3FFD];
	_ =	sdelay $0x3  }
0x96: {  	_ =	strace s3  }
0x97: {  	_ =	strace $0x8FFFFFFF  }
0x98: {  	s19 =	sld [smem:$0x3FDB];
	_ =	sdelay $0x1  }
0x99: {  	s4 =	simm.s32 $_scs_section_size  }
0x9a: {  	s5 =	simm.s32 $_size__tile_overlayer_lowered;
	s6 =	simm.s32 $_tile_overlayer_lowered  }
0x9b: {  	s22 =	simm.s32 $0x1BFF;
	s21 =	sshll.u32 s6, $0x1;
	s3 =	sadd.s32 s4, s19  }
0x9c: {  	s7 =	simm.s32 $0x0;
	s20 =	sshll.u32 s5, $0x1;
	s5 =	sadd.s32 s21, s3  }
0x9d: {  	[timem:s7], [sflag:s22] =	dma.local [hbm:s5], s20  }
0x9e: {  	_ =	swait.ge [sflag:s22], s20  }
0x9f: {  	s4 =	ssub.s32 $0x0, s20;
	[sflag:s22] =	ssyncset.done $0x0  }
0xa0: {  	[sflag:s22] =	ssyncadd.s32 s4;
	_ =	sdelay $0x1  }
0xa1: {  	s23 =	simm.s32 $0x1B8B  }
0xa2: {  	_ =	swait.ge [sflag:s23], $0x1  }
0xa3: {  	[sflag:s23] =	ssyncset.done $0x0  }
0xa4: {  	s25 =	simm.s32 $0x1B8E;
	s24 =	sld [smem:$0x3FFE];
	[sflag:s23] =	ssyncadd.s32 $0xFFFFFFFF  }
0xa5: {  	s26 =	simm.s32 $execute0_lowered;
	[smem:$0x3FD2] =	sst s25  }
0xa6: {  	s5 =	sshll.u32 s26, $0x1;
	_ =	strace $0x80000046;
	[dreg:$0x1] =	wrdreg $0xFFFFFFFF  }
0xa7: {  	s28 =	simm.s32 $_size_execute0_lowered;
	s3 =	sadd.s32 s3, s5;
	[dreg:$0x0] =	wrdreg $0x0  }
0xa8: {  	s5 =	sshll.u32 s28, $0x1;
	[dreg:$0x2] =	wrdreg s3  }
0xa9: {  	[dreg:$0x3] =	wrdreg s5  }
0xaa: {  	[dreg:$0x4] =	wrdreg $0xC0  }
0xab: {  	_ =	task [dreg:s7], $0x5FFFF  }
0xac: {  	[dreg:$0x1] =	wrdreg $0xFFFFFFFF  }
0xad: {  	[dreg:$0x0] =	wrdreg $0x60  }
0xae: {  	[dreg:$0x2] =	wrdreg s2  }
0xaf: {  	[dreg:$0x3] =	wrdreg s24  }
0xb0: {  	[dreg:$0x4] =	wrdreg $0x9  }
0xb1: {  	_ =	task.clear_ibuf [dreg:s7], $0x5FFFF;
	_ =	strace $0x90000046  }
0xb2: {  	s29 =	simm.s32 $0x9;
	_ =	strace $0x80000048  }
0xb3: {  	_ =	swait.ge [sflag:s29], $0x1  }
0xb4: {  	[sflag:s29] =	ssyncadd.s32 $0xFFFFFFFF  }
0xb5: {  	_ =	strace $0x90000048  }
0xb6: {  	_ =	sfence  }
0xb7: {  	s30 =	sld [smem:$0x0];
	_ =	sdelay $0x2  }
0xb8: {  	s31 =	sshll.u32 s1, $0xD;
	s1 =	sshrl.u32 s1, $0x2  }
0xb9: {  	s3 =	sand.u32 $0x4000, s31;
	s1 =	sadd.s32 s1, s30  }
0xba: {  	s0 =	sor.u32 s3, s0;
	s1 =	sshll.u32 s1, $0x11  }
0xbb: {  	s0 =	sor.u32 s1, s0  }
0xbc: {  	s0 =	sadd.s32 $0x8F2B, s0  }
0xbd: {  	[sflag:s0] =	ssyncadd.remote.s32 $0x1  }
0xbe: {  	_ =	sfence.sel $0xFFFF  }
0xbf: {  	[dreg:$0x0] =	wrdreg $0xFFFFFFFF;
	(pc) =	sbr.abs _section_cstart, $3  }
0xc0: {  	[dreg:$0x1] =	wrdreg $0xFFFFFFFF  }
0xc1: {  	_ =	task.clear_ibuf [dreg:s7], $0x2FFFF;
	_ =	strace $0x9FFFFFFF  }
0xc2: {  	(tm) =	ssettm $0x7FFFFFFF  }
0xc3: {  	_ =	shalt  }
tec
execute0_lowered:
.L_overlay_start_1:
0x0: {  	(tag) =	ssettag $0x1  }
0x1: {  	s12 =	stileid.u32  }
0x2: {  	s9 =	smul.u32 $0x190, s12  }
0x3: {  	s0 =	srdreg.scid;
	s18 =	smul.u32 $0xC800, s12  }
0x4: {  	s2 =	rddreg [dreg:$0x0];
	s16 =	smul.u32 $0x1900, s12  }
0x5: {  	s6 =	rddreg [dreg:$0x1];
	s0 =	sand.u32 $0x1, s0;
	s25 =	smul.u32 $0xC8000, s12  }
0x6: {  	s3 =	simm.s32 $0x0;
	s28 =	simm.s32 $0xC400;
	s11 =	smul.u32 $0xC8, s0  }
0x7: {  	s29 =	simm.s32 $0x10400;
	s30 =	simm.s32 $0x3;
	s14 =	smul.u32 $0x6400, s0  }
0x8: {  	s31 =	simm.s32 $0x0;
	s1 =	sshll.u32 s12, $0x1;
	s23 =	smul.u32 $0xC80, s0  }
0x9: {  	s1 =	sor.u32 s0, s1;
	s8 =	ssub.s32 $0x2, s0;
	s0 =	smul.u32 $0x64000, s0  }
0xa: {  	[smem:$0x7FF] =	sst s3;
	s5 =	sadd.s32 $0xF42E00, s6;
	s4 =	smul.u32 $0xC8, s1  }
0xb: {  	s6 =	sadd.s32 $0xA00, s6;
	_ =	strace $0x80000047;
	s7 =	smul.u32 $0xC80, s1  }
0xc: {  	s1 =	smul.u32 $0x64000, s1;
	s10 =	sshrl.u32 s8, $0x1;
	s26 =	sadd.s32 s25, s6  }
0xd: {  	s25 =	simm.s32 $0x4400;
	s8 =	ssub.s32 s8, s10;
	s22 =	sadd.s32 s11, s9  }
0xe: {  	s10 =	sadd.s32 s14, s18;
	s16 =	sadd.s32 s23, s16;
	s18 =	simm.s32 $0x80  }
0xf: {  	s23 =	simm.s32 $0x400;
	s7 =	sadd.s32 s2, s7;
	s8 =	smax.u32 s8, $0x1  }
0x10: {  	s24 =	sshll.u32 s22, $0xB;
	s13 =	sadd.s32 $0x10, s7;
	[dreg:$0x7] =	wrdreg s8  }
0x11: {  	s15 =	sadd.s32 $0x400, s10;
	s19 =	sadd.s32 $0x20, s7;
	[dreg:$0x3] =	wrdreg s13  }
.Ltmp0:
0x12: {  	s20 =	sadd.s32 $0x30, s7;
	[dreg:$0x4] =	wrdreg s19;
	(pc) =	sbr.rel .LBB2_1-.Ltmp0, $4  }
0x13: {  	s22 =	simm.s32 $0x1;
	s21 =	sadd.s32 $0x40, s7;
	[dreg:$0x5] =	wrdreg s20  }
0x14: {  	[dreg:$0x6] =	wrdreg s21;
	s13 =	sadd.s32 s6, s1;
	s1 =	sadd.s32 s24, s6  }
0x15: {  	s21 =	sadd.s32 s0, s26;
	s19 =	simm.s32 $0x100;
	s20 =	simm.s32 $0x180  }
0x16: {  	s24 =	simm.s32 $0x2;
	s26 =	simm.s32 $0x8400;
	s8 =	sadd.s32 $0x800, s1  }
.LBB2_23:
0x17: {  	_ =	swait.ge [sflag:s30], $0x4000  }
0x18: {  	[sflag:s30] =	ssyncset.done $0x0  }
0x19: {  	[sflag:s30] =	ssyncadd.s32 $0xFFFFC000  }
0x1a: {  	_ =	swait.ge [sflag:s30], $0x4000  }
0x1b: {  	[sflag:s30] =	ssyncset.done $0x0  }
0x1c: {  	[sflag:s30] =	ssyncadd.s32 $0xFFFFC000  }
0x1d: {  	_ =	swait.ge [sflag:s30], $0x4000  }
0x1e: {  	[sflag:s30] =	ssyncset.done $0x0  }
0x1f: {  	[sflag:s30] =	ssyncadd.s32 $0xFFFFC000  }
0x20: {  	_ =	swait.ge [sflag:s30], $0x4000  }
0x21: {  	s31 =	sadd.s32 $0x1, s31;
	s0 =	rddreg [dreg:$0x7]  }
0x22: {  	p0 =	sne.s32 s31, s0  }
.Ltmp1:
0x23: {  	_ = 	snop;
	(pc) =	sbr.rel @!p0 .LBB2_24-.Ltmp1, $3  }
0x24: {  	_ =	sdelay $0x1  }
0x25: {  	[sflag:s30] =	ssyncset.done $0x0  }
0x26: {  	[sflag:s30] =	ssyncadd.s32 $0xFFFFC000  }
.LBB2_1:
0x27: {  	[tilespmem:s3], [sflag:$0x1] =	stream.linear.gather [hbm4b:s7+s3], $0x80, $0x38;
	[tilespmem:$0x14400] =	vst v63  }
0x28: {  	s0 =	rddreg [dreg:$0x3]  }
0x29: {  	[tilespmem:s18], [sflag:$0x1] =	stream.linear.gather [hbm4b:s0+s3], $0x80, $0x38;
	[tilespmem:$0x14400] =	vst v63  }
0x2a: {  	s12 =	rddreg [dreg:$0x4]  }
0x2b: {  	[tilespmem:s19], [sflag:$0x1] =	stream.linear.gather [hbm4b:s12+s3], $0x80, $0x38;
	[tilespmem:$0x14400] =	vst v63  }
0x2c: {  	s14 =	rddreg [dreg:$0x5]  }
0x2d: {  	[tilespmem:s20], [sflag:$0x1] =	stream.linear.gather [hbm4b:s14+s3], $0x80, $0x38;
	[tilespmem:$0x14400] =	vst v63  }
0x2e: {  	s17 =	rddreg [dreg:$0x6];
	s1 =	simm.s32 $0x200  }
0x2f: {  	[tilespmem:s1], [sflag:$0x1] =	stream.linear.gather [hbm4b:s17+s3], $0x80, $0x38;
	[tilespmem:$0x14400] =	vst v63  }
0x30: {  	_ =	swait.ge [sflag:s22], $0x80  }
0x31: {  	[sflag:s22] =	ssyncset.done $0x0  }
0x32: {  	[sflag:s22] =	ssyncadd.s32 $0xFFFFFF80  }
0x33: {  	_ =	swait.ge [sflag:s22], $0x80  }
0x34: {  	[sflag:s22] =	ssyncset.done $0x0  }
0x35: {  	[sflag:s22] =	ssyncadd.s32 $0xFFFFFF80  }
0x36: {  	_ =	swait.ge [sflag:s22], $0x80  }
0x37: {  	[sflag:s22] =	ssyncset.done $0x0  }
0x38: {  	[sflag:s22] =	ssyncadd.s32 $0xFFFFFF80  }
0x39: {  	_ =	swait.ge [sflag:s22], $0x80  }
0x3a: {  	[sflag:s22] =	ssyncset.done $0x0  }
.Ltmp2:
0x3b: {  	[sflag:s22] =	ssyncadd.s32 $0xFFFFFF80;
	(pc) =	sbr.rel .LBB2_2-.Ltmp2, $4  }
0x3c: {  	s9 =	simm.s32 $0x0;
	_ =	swait.ge [sflag:s22], $0x80  }
0x3d: {  	s0 =	simm.s32 $0x4;
	s14 =	smov.u32 s8;
	[sflag:s22] =	ssyncset.done $0x0  }
0x3e: {  	s1 =	simm.s32 $0x90;
	s17 =	smov.u32 s21;
	[sflag:s22] =	ssyncadd.s32 $0xFFFFFF80  }
0x3f: {  	[tilespmem:s23], [sflag:$0x2] =	stream.indirect.gather [hbm4b:s5+s18], $0x80, s3, s18, $0xb8;
	[tilespmem:$0x14400] =	vst v63  }
.LBB2_19:
0x40: {  	s10 =	sand.u32 $0xFF, s10  }
0x41: {  	s12 =	sshll.u32 s10, $0xE  }
0x42: {  	s10 =	sshll.u32 s10, $0x7;
	s12 =	sor.u32 $0x400, s12  }
0x43: {  	[tilespmem:s12], [sflag:$0x2] =	stream.indirect.gather [hbm4b:s5+s18], $0x80, s10, s18, $0xb8;
	[tilespmem:$0x14400] =	vst v63  }
.LBB2_21:
0x44: {  	s10 =	sadd.s32 s9, s15  }
0x45: {  	s12 =	sand.u32 $0x380, s9;
	s10 =	sand.u32 $0x7FFFFC00, s10  }
0x46: {  	s10 =	sor.u32 s12, s10  }
0x47: {  	s10 =	sshrl.u32 s10, $0x3  }
0x48: {  	s10 =	sadd.s32 s2, s10  }
0x49: {  	[tilespmem:s20], [sflag:$0x1] =	stream.linear.gather [hbm4b:s10+s3], $0x80, $0x38;
	[tilespmem:$0x14400] =	vst v63  }
0x4a: {  	_ =	swait.ge [sflag:s22], $0x80  }
0x4b: {  	[sflag:s22] =	ssyncset.done $0x0  }
0x4c: {  	[sflag:s22] =	ssyncadd.s32 $0xFFFFFF80  }
.LBB2_22:
0x4d: {  	s10 =	sadd.s32 s4, s11  }
0x4e: {  	_ =	swait.ge [sflag:s24], $0x4000;
	s10 =	sshll.u32 s10, $0xB  }
0x4f: {  	[sflag:s24] =	ssyncset.done $0x0;
	s10 =	sand.u32 $0xFFFF800, s10  }
0x50: {  	[sflag:s24] =	ssyncadd.s32 $0xFFFFC000;
	s10 =	sadd.s32 s6, s10  }
0x51: {  	[hbm4b:s10+s3] =	stream.linear.scatter [tilespmem:s29], [sflag:$0x3], $0x4000, $0x38;
	[tilespmem:$0x14400] =	vst v63  }
0x52: {  	_ =	swait.ge [sflag:s30], $0x4000  }
0x53: {  	s11 =	simm.s32 @!p0 $0x0;
	[sflag:s30] =	ssyncset.done $0x0  }
0x54: {  	s12 =	simm.s32 @!p0 $0x400;
	s10 =	simm.s32 @!p0 $0x80;
	[sflag:s30] =	ssyncadd.s32 $0xFFFFC000  }
0x55: {  	[tilespmem:s12], [sflag:$0x2] =	stream.indirect.gather @!p0 [hbm4b:s5+s10], $0x80, s11, s10, $0xb8;
	[tilespmem:$0x14400] =	vst v63  }
0x56: {  	s10 =	sadd.s32 @!p0 s1, s16;
	s12 =	sand.u32 @!p0 $0x70, s1  }
0x57: {  	s10 =	sand.u32 @!p0 $0xFFFFF80, s10;
	s12 =	sadd.s32 @!p0 s2, s12  }
0x58: {  	s1 =	sadd.s32 $0x50, s1;
	s10 =	sadd.s32 @!p0 s10, s12;
	s12 =	simm.s32 @!p0 $0x200  }
0x59: {  	[tilespmem:s12], [sflag:$0x1] =	stream.linear.gather @!p0 [hbm4b:s10+s11], $0x80, $0x38;
	[tilespmem:$0x14400] =	vst v63  }
0x5a: {  	p0 =	sne.s32 s1, $0xD10  }
.Ltmp3:
0x5b: {  	_ = 	snop;
	(pc) =	sbr.rel @!p0 .LBB2_23-.Ltmp3, $3  }
0x5c: {  	_ =	sdelay $0x1  }
0x5d: {  	s9 =	sadd.s32 $0x280, s9  }
0x5e: {  	s14 =	sadd.s32 $0x2800, s14;
	s0 =	sadd.s32 $0x5, s0;
	s17 =	sadd.s32 $0x2800, s17  }
.LBB2_2:
0x5f: {  	p1 =	seq.s32 s1, $0x90  }
.Ltmp4:
0x60: {  	_ = 	snop;
	(pc) =	sbr.rel @!p1 .LBB2_3-.Ltmp4, $1  }
0x61: {  	_ =	sdelay $0x3  }
0x62: {  	_ =	swait.ge [sflag:s24], $0x4000  }
.Ltmp5:
0x63: {  	[sflag:s24] =	ssyncset.done $0x0;
	(pc) =	sbr.rel .LBB2_6-.Ltmp5, $4  }
0x64: {  	[sflag:s24] =	ssyncadd.s32 $0xFFFFC000  }
0x65: {  	[hbm4b:s13+s3] =	stream.linear.scatter [tilespmem:s23], [sflag:$0x3], $0x4000, $0x38;
	[tilespmem:$0x14400] =	vst v63  }
0x66: {  	_ = 	snop  }
0x67: {  	[tilespmem:s25], [sflag:$0x2] =	stream.indirect.gather [hbm4b:s5+s18], $0x80, s18, s18, $0xb8;
	[tilespmem:$0x14400] =	vst v63  }
.LBB2_3:
0x68: {  	_ =	swait.ge [sflag:s22], $0x80  }
0x69: {  	[sflag:s22] =	ssyncset.done $0x0  }
0x6a: {  	[sflag:s22] =	ssyncadd.s32 $0xFFFFFF80  }
0x6b: {  	_ =	swait.ge [sflag:s24], $0x4000  }
0x6c: {  	[sflag:s24] =	ssyncset.done $0x0  }
0x6d: {  	p0 =	seq.s32 s1, $0xCC0;
	[sflag:s24] =	ssyncadd.s32 $0xFFFFC000  }
0x6e: {  	[hbm4b:s17+s3] =	stream.linear.scatter [tilespmem:s23], [sflag:$0x3], $0x4000, $0x38;
	[tilespmem:$0x14400] =	vst v63  }
.Ltmp6:
0x6f: {  	_ = 	snop;
	(pc) =	sbr.rel @!p0 .LBB2_6-.Ltmp6, $4  }
0x70: {  	_ =	swait.ge [sflag:s30], $0x4000  }
0x71: {  	[sflag:s30] =	ssyncset.done $0x0  }
0x72: {  	[sflag:s30] =	ssyncadd.s32 $0xFFFFC000  }
0x73: {  	[tilespmem:s25], [sflag:$0x2] =	stream.indirect.gather [hbm4b:s5+s18], $0x80, s18, s18, $0xb8;
	[tilespmem:$0x14400] =	vst v63  }
.Ltmp7:
0x74: {  	(pc) =	sbr.rel .LBB2_7-.Ltmp7, $2  }
0x75: {  	_ =	sdelay $0x2  }
0x76: {  	s11 =	simm.s32 $0xC5;
	p0 =	por $0x1, $0x1  }
.LBB2_6:
.Ltmp8:
0x77: {  	s10 =	sadd.s32 $0xFFFFFFC0, s1;
	(pc) =	sbr.rel @p1 .LBB2_8-.Ltmp8, $4  }
0x78: {  	s11 =	sadd.s32 s16, s10;
	s10 =	sand.u32 $0x70, s10  }
0x79: {  	s11 =	sand.u32 $0xFFFFF80, s11;
	s10 =	sadd.s32 s2, s10  }
0x7a: {  	p0 =	por $0x0, $0x0;
	s10 =	sadd.s32 s11, s10;
	s11 =	sadd.s32 $0xFFFFFFFE, s0  }
0x7b: {  	[tilespmem:s3], [sflag:$0x1] =	stream.linear.gather [hbm4b:s10+s3], $0x80, $0x38;
	[tilespmem:$0x14400] =	vst v63  }
.LBB2_7:
0x7c: {  	_ =	swait.ge [sflag:s22], $0x80  }
0x7d: {  	[sflag:s22] =	ssyncset.done $0x0  }
0x7e: {  	[sflag:s22] =	ssyncadd.s32 $0xFFFFFF80  }
.LBB2_8:
0x7f: {  	s10 =	sand.u32 $0xFF, s11  }
0x80: {  	p2 =	sne.s32 s1, $0x90;
	s10 =	smul.u32 $0xCD, s10  }
.Ltmp9:
0x81: {  	_ =	swait.ge [sflag:s24], $0x4000;
	(pc) =	sbr.rel @p2 .LBB2_10-.Ltmp9, $4  }
0x82: {  	[sflag:s24] =	ssyncset.done $0x0;
	s10 =	sshrl.u32 s10, $0xA  }
0x83: {  	[sflag:s24] =	ssyncadd.s32 $0xFFFFC000;
	s10 =	smul.u32 $0x5, s10  }
0x84: {  	[hbm4b:s14+s3] =	stream.linear.scatter [tilespmem:s25], [sflag:$0x3], $0x4000, $0x38;
	[tilespmem:$0x14400] =	vst v63  }
0x85: {  	s10 =	ssub.s32 s11, s10  }
.Ltmp10:
0x86: {  	(pc) =	sbr.rel .LBB2_11-.Ltmp10, $4  }
0x87: {  	s10 =	sand.u32 $0xFF, s10  }
0x88: {  	s12 =	sshll.u32 s10, $0xE  }
0x89: {  	s10 =	sshll.u32 s10, $0x7;
	s12 =	sor.u32 $0x400, s12  }
0x8a: {  	[tilespmem:s12], [sflag:$0x2] =	stream.indirect.gather [hbm4b:s5+s18], $0x80, s10, s18, $0xb8;
	[tilespmem:$0x14400] =	vst v63  }
.LBB2_10:
.Ltmp11:
0x8b: {  	_ =	swait.ge [sflag:s30], $0x4000;
	s10 =	sand.u32 $0xFF, s10;
	(pc) =	sbr.rel @p0 .LBB2_12-.Ltmp11, $4  }
0x8c: {  	[sflag:s30] =	ssyncset.done $0x0;
	s12 =	sshll.u32 s10, $0xE  }
0x8d: {  	s10 =	sshll.u32 s10, $0x7;
	[sflag:s30] =	ssyncadd.s32 $0xFFFFC000;
	s12 =	sor.u32 $0x400, s12  }
0x8e: {  	[tilespmem:s12], [sflag:$0x2] =	stream.indirect.gather [hbm4b:s5+s18], $0x80, s10, s18, $0xb8;
	[tilespmem:$0x14400] =	vst v63  }
0x8f: {  	s10 =	simm.s32 $0xC6  }
.LBB2_11:
0x90: {  	s10 =	sadd.s32 $0xFFFFFFD0, s1  }
.Ltmp12:
0x91: {  	s12 =	sadd.s32 s16, s10;
	s10 =	sand.u32 $0x70, s10;
	(pc) =	sbr.rel @p1 .LBB2_13-.Ltmp12, $4  }
0x92: {  	s12 =	sand.u32 $0xFFFFF80, s12;
	s10 =	sadd.s32 s2, s10  }
0x93: {  	s10 =	sadd.s32 s12, s10  }
0x94: {  	[tilespmem:s18], [sflag:$0x1] =	stream.linear.gather [hbm4b:s10+s3], $0x80, $0x38;
	[tilespmem:$0x14400] =	vst v63  }
0x95: {  	s10 =	sadd.s32 $0xFFFFFFFF, s0  }
.LBB2_12:
0x96: {  	_ =	swait.ge [sflag:s22], $0x80  }
0x97: {  	[sflag:s22] =	ssyncset.done $0x0  }
0x98: {  	[sflag:s22] =	ssyncadd.s32 $0xFFFFFF80  }
.LBB2_13:
0x99: {  	s11 =	sadd.s32 s4, s11  }
0x9a: {  	_ =	swait.ge [sflag:s24], $0x4000;
	s11 =	sshll.u32 s11, $0xB  }
0x9b: {  	[sflag:s24] =	ssyncset.done $0x0;
	s11 =	sand.u32 $0xFFFF800, s11  }
0x9c: {  	s12 =	sand.u32 $0xFF, s10;
	[sflag:s24] =	ssyncadd.s32 $0xFFFFC000;
	s11 =	sadd.s32 s6, s11  }
0x9d: {  	[hbm4b:s11+s3] =	stream.linear.scatter [tilespmem:s26], [sflag:$0x3], $0x4000, $0x38;
	[tilespmem:$0x14400] =	vst v63  }
0x9e: {  	s11 =	smul.u32 $0xCD, s12  }
.Ltmp13:
0x9f: {  	_ = 	snop;
	(pc) =	sbr.rel @p2 .LBB2_15-.Ltmp13, $3  }
0xa0: {  	s11 =	sshrl.u32 s11, $0xA  }
0xa1: {  	s11 =	smul.u32 $0x5, s11;
	_ =	sdelay $0x1  }
0xa2: {  	s11 =	ssub.s32 s10, s11  }
.Ltmp14:
0xa3: {  	(pc) =	sbr.rel .LBB2_16-.Ltmp14, $4  }
0xa4: {  	s11 =	sand.u32 $0xFF, s11  }
0xa5: {  	s12 =	sshll.u32 s11, $0xE  }
0xa6: {  	s11 =	sshll.u32 s11, $0x7;
	s12 =	sor.u32 $0x400, s12  }
0xa7: {  	[tilespmem:s12], [sflag:$0x2] =	stream.indirect.gather [hbm4b:s5+s18], $0x80, s11, s18, $0xb8;
	[tilespmem:$0x14400] =	vst v63  }
.LBB2_15:
.Ltmp15:
0xa8: {  	_ =	swait.ge [sflag:s30], $0x4000;
	s11 =	sand.u32 $0xFF, s11;
	(pc) =	sbr.rel @p0 .LBB2_17-.Ltmp15, $4  }
0xa9: {  	[sflag:s30] =	ssyncset.done $0x0;
	s12 =	sshll.u32 s11, $0xE  }
0xaa: {  	s11 =	sshll.u32 s11, $0x7;
	[sflag:s30] =	ssyncadd.s32 $0xFFFFC000;
	s12 =	sor.u32 $0x400, s12  }
0xab: {  	[tilespmem:s12], [sflag:$0x2] =	stream.indirect.gather [hbm4b:s5+s18], $0x80, s11, s18, $0xb8;
	[tilespmem:$0x14400] =	vst v63  }
0xac: {  	s11 =	simm.s32 $0xC7  }
.LBB2_16:
0xad: {  	s11 =	sadd.s32 $0xFFFFFFE0, s1  }
.Ltmp16:
0xae: {  	s12 =	sadd.s32 s16, s11;
	s11 =	sand.u32 $0x70, s11;
	(pc) =	sbr.rel @p1 .LBB2_18-.Ltmp16, $4  }
0xaf: {  	s12 =	sand.u32 $0xFFFFF80, s12;
	s11 =	sadd.s32 s2, s11  }
0xb0: {  	s11 =	sadd.s32 s12, s11  }
0xb1: {  	[tilespmem:s19], [sflag:$0x1] =	stream.linear.gather [hbm4b:s11+s3], $0x80, $0x38;
	[tilespmem:$0x14400] =	vst v63  }
0xb2: {  	s11 =	smov.u32 s0  }
.LBB2_17:
0xb3: {  	_ =	swait.ge [sflag:s22], $0x80  }
0xb4: {  	[sflag:s22] =	ssyncset.done $0x0  }
0xb5: {  	[sflag:s22] =	ssyncadd.s32 $0xFFFFFF80  }
.LBB2_18:
0xb6: {  	s10 =	sadd.s32 s4, s10  }
0xb7: {  	_ =	swait.ge [sflag:s24], $0x4000;
	s10 =	sshll.u32 s10, $0xB  }
0xb8: {  	[sflag:s24] =	ssyncset.done $0x0;
	s10 =	sand.u32 $0xFFFF800, s10  }
0xb9: {  	s12 =	sand.u32 $0xFF, s11;
	[sflag:s24] =	ssyncadd.s32 $0xFFFFC000;
	s10 =	sadd.s32 s6, s10  }
0xba: {  	[hbm4b:s10+s3] =	stream.linear.scatter [tilespmem:s28], [sflag:$0x3], $0x4000, $0x38;
	[tilespmem:$0x14400] =	vst v63  }
0xbb: {  	s10 =	smul.u32 $0xCD, s12  }
.Ltmp17:
0xbc: {  	_ = 	snop;
	(pc) =	sbr.rel @!p2 .LBB2_19-.Ltmp17, $3  }
0xbd: {  	s10 =	sshrl.u32 s10, $0xA  }
0xbe: {  	s10 =	smul.u32 $0x5, s10;
	_ =	sdelay $0x1  }
0xbf: {  	s10 =	ssub.s32 s11, s10  }
.Ltmp18:
0xc0: {  	(pc) =	sbr.rel @p0 .LBB2_22-.Ltmp18, $4  }
.Ltmp19:
0xc1: {  	_ =	swait.ge [sflag:s30], $0x4000;
	s10 =	sand.u32 $0xFF, s10;
	(pc) =	sbr.rel @!p0 .LBB2_21-.Ltmp19, $4  }
0xc2: {  	[sflag:s30] =	ssyncset.done $0x0;
	s12 =	sshll.u32 s10, $0xE  }
0xc3: {  	s10 =	sshll.u32 s10, $0x7;
	[sflag:s30] =	ssyncadd.s32 $0xFFFFC000;
	s12 =	sor.u32 $0x400, s12  }
0xc4: {  	[tilespmem:s12], [sflag:$0x2] =	stream.indirect.gather [hbm4b:s5+s18], $0x80, s10, s18, $0xb8;
	[tilespmem:$0x14400] =	vst v63  }
0xc5: {  	_ = 	snop  }
.LBB2_24:
0xc6: {  	_ =	sfence.sel $0x180000  }
0xc7: {  	[bflag:$0x0] =	sbarrier.arrive $0xFFFF  }
0xc8: {  	_ =	strace $0x90000047  }
0xc9: {  	s0 =	stileid.u32;
	[bflag:$0x2] =	sbarrier.arrive $0xFFFF  }
0xca: {  	p0 =	sne.s32 s0, $0x0;
	s0 =	rddreg [dreg:$0x2]  }
0xcb: {  	s0 =	sadd.s32 @!p0 $0x100000, s0  }
0xcc: {  	[sflag:s0] =	ssyncadd.tile.s32 @!p0 $0x1;
	_ =	shalt  }
.Lfunc_end2:
_tile_overlayer_lowered:
.L_overlay_start_2:
0xcd: {  	(tag) =	ssettag $0x2  }
0xce: {  	s0 =	rddreg [dreg:$0x0];
	s2 =	stileid.u32  }
0xcf: {  	s1 =	rddreg [dreg:$0x1];
	p0 =	sne.s32 s2, $0x0  }
0xd0: {  	s3 =	rddreg [dreg:$0x2];
	[bflag:$0x3] =	sbarrier.arrive $0xFFFF;
	s2 =	simm.s32 @!p0 $0x1C04  }
0xd1: {  	[timem:s3], [sflag:s2] =	dma.local @!p0 [hbm:s0], s1  }
0xd2: {  	s0 =	simm.s32 @!p0 $0x4  }
0xd3: {  	_ =	swait.ge @!p0 [sflag:s0], s1  }
0xd4: {  	s1 =	ssub.s32 @!p0 $0x0, s1;
	[sflag:s0] =	ssyncset.done @!p0 $0x0  }
0xd5: {  	[sflag:s0] =	ssyncadd.s32 @!p0 s1  }
0xd6: {  	[bflag:$0x3] =	sbarrier.arrive $0xFFFF  }
0xd7: {  	_ =	shalt  }

// kernel: sparse-core-data-format-call.cloned.1.call-start
scs
called_computation_lowered:
.L_overlay_start_0:
0x0: {  	s2 =	sld [smem:$0x3FD9]  }
0x1: {  	s3 =	sld [smem:$0x3FFE];
	_ =	sdelay $0x1  }
0x2: {  	s1 =	srdreg.scid  }
0x3: {  	s0 =	sand.u32 $0x1, s1  }
0x4: {  	s18 =	sshll.u32 s0, $0xA;
	s2 =	sadd.s32 s3, s2  }
0x5: {  	s2 =	sadd.s32 s2, s18  }
0x6: {  	[smem:$0x3FC6] =	sst s2  }
0x7: {  	_ = 	snop  }
0x8: {  	s2 =	sld [smem:$0x3FD0];
	(tm) =	ssettm $0x1  }
0x9: {  	s19 =	sld [smem:$0x3FFB];
	_ =	sdelay $0x3  }
0xa: {  	_ =	strace s19  }
0xb: {  	s3 =	sld [smem:$0x3FFC];
	_ =	sdelay $0x3  }
0xc: {  	_ =	strace s3  }
0xd: {  	s3 =	sld [smem:$0x3FFD];
	_ =	sdelay $0x3  }
0xe: {  	_ =	strace s3  }
0xf: {  	_ =	strace $0x8FFFFFFF  }
0x10: {  	s20 =	sld [smem:$0x3FDB];
	_ =	sdelay $0x1  }
0x11: {  	s4 =	simm.s32 $_scs_section_size  }
0x12: {  	s5 =	simm.s32 $_size__tile_overlayer_lowered;
	s6 =	simm.s32 $_tile_overlayer_lowered  }
0x13: {  	s23 =	simm.s32 $0x1BFF;
	s22 =	sshll.u32 s6, $0x1;
	s3 =	sadd.s32 s4, s20  }
0x14: {  	s7 =	simm.s32 $0x0;
	s21 =	sshll.u32 s5, $0x1;
	s5 =	sadd.s32 s22, s3  }
0x15: {  	[timem:s7], [sflag:s23] =	dma.local [hbm:s5], s21  }
0x16: {  	_ =	swait.ge [sflag:s23], s21  }
0x17: {  	s4 =	ssub.s32 $0x0, s21;
	[sflag:s23] =	ssyncset.done $0x0  }
0x18: {  	[sflag:s23] =	ssyncadd.s32 s4;
	_ =	sdelay $0x1  }
0x19: {  	s24 =	simm.s32 $0x1B8B  }
0x1a: {  	_ =	swait.ge [sflag:s24], $0x1  }
0x1b: {  	[sflag:s24] =	ssyncset.done $0x0  }
0x1c: {  	s26 =	simm.s32 $0x1B8E;
	s25 =	sld [smem:$0x3FFE];
	[sflag:s24] =	ssyncadd.s32 $0xFFFFFFFF  }
0x1d: {  	s27 =	simm.s32 $execute0_lowered;
	[smem:$0x3FD2] =	sst s26  }
0x1e: {  	s5 =	sshll.u32 s27, $0x1;
	_ =	strace $0x80000049;
	[dreg:$0x1] =	wrdreg $0xFFFFFFFF  }
0x1f: {  	s28 =	simm.s32 $_size_execute0_lowered;
	s3 =	sadd.s32 s3, s5;
	[dreg:$0x0] =	wrdreg $0x0  }
0x20: {  	s5 =	sshll.u32 s28, $0x1;
	[dreg:$0x2] =	wrdreg s3  }
0x21: {  	[dreg:$0x3] =	wrdreg s5  }
0x22: {  	[dreg:$0x4] =	wrdreg $0xC0  }
0x23: {  	_ =	task [dreg:s7], $0x5FFFF  }
0x24: {  	[dreg:$0x1] =	wrdreg $0xFFFFFFFF  }
0x25: {  	[dreg:$0x0] =	wrdreg $0x60  }
0x26: {  	[dreg:$0x2] =	wrdreg s25  }
0x27: {  	[dreg:$0x3] =	wrdreg s2  }
0x28: {  	[dreg:$0x4] =	wrdreg $0x9  }
0x29: {  	_ =	task.clear_ibuf [dreg:s7], $0x5FFFF;
	_ =	strace $0x90000049  }
0x2a: {  	s29 =	simm.s32 $0x9;
	_ =	strace $0x8000004B  }
0x2b: {  	_ =	swait.ge [sflag:s29], $0x1  }
0x2c: {  	[sflag:s29] =	ssyncadd.s32 $0xFFFFFFFF  }
0x2d: {  	_ =	strace $0x9000004B  }
0x2e: {  	_ =	sfence  }
0x2f: {  	s30 =	sld [smem:$0x0];
	_ =	sdelay $0x2  }
0x30: {  	s31 =	sshll.u32 s1, $0xD;
	s1 =	sshrl.u32 s1, $0x2  }
0x31: {  	s3 =	sand.u32 $0x4000, s31;
	s1 =	sadd.s32 s1, s30  }
0x32: {  	s0 =	sor.u32 s3, s0;
	s1 =	sshll.u32 s1, $0x11  }
0x33: {  	s0 =	sor.u32 s1, s0  }
0x34: {  	s0 =	sadd.s32 $0x8F2B, s0  }
0x35: {  	[sflag:s0] =	ssyncadd.remote.s32 $0x1  }
0x36: {  	_ =	sfence.sel $0xFFFF  }
0x37: {  	[dreg:$0x0] =	wrdreg $0xFFFFFFFF;
	(pc) =	sbr.abs _section_cstart, $3  }
0x38: {  	[dreg:$0x1] =	wrdreg $0xFFFFFFFF  }
0x39: {  	_ =	task.clear_ibuf [dreg:s7], $0x2FFFF;
	_ =	strace $0x9FFFFFFF  }
0x3a: {  	(tm) =	ssettm $0x7FFFFFFF  }
0x3b: {  	_ =	shalt  }
tec
execute0_lowered:
.L_overlay_start_1:
0x0: {  	(tag) =	ssettag $0x1  }
0x1: {  	s0 =	srdreg.scid  }
0x2: {  	s1 =	sshll.u32 s0, $0x4  }
0x3: {  	s0 =	stileid.u32;
	s1 =	sand.u32 $0x10, s1  }
0x4: {  	s7 =	rddreg [dreg:$0x0];
	s1 =	sor.u32 s0, s1  }
0x5: {  	s4 =	simm.s32 $0x1;
	s8 =	simm.s32 $0x2;
	s2 =	sshll.u32 s1, $0x7  }
0x6: {  	s13 =	simm.s32 $0x0;
	s9 =	simm.s32 $0x20000;
	s1 =	ssub.s32 $0x4000, s2  }
0x7: {  	s14 =	simm.s32 $0x0;
	s11 =	simm.s32 $0x0;
	s3 =	sand.u32 $0xF80, s1  }
0x8: {  	s12 =	simm.s32 $0x0;
	s5 =	sshrl.u32 s1, $0xC;
	p0 =	sne.s32 s3, $0x0  }
.Ltmp0:
0x9: {  	s1 =	rddreg [dreg:$0x2];
	s4 =	simm.s32 @!p0 $0x0;
	(pc) =	sbr.rel .LBB1_1-.Ltmp0, $4  }
0xa: {  	s6 =	sadd.s32 $0xA00, s7;
	s3 =	rddreg [dreg:$0x1];
	s5 =	sadd.s32 s4, s5  }
0xb: {  	_ =	strace $0x8000004A;
	s4 =	simm.s32 $0x1;
	s5 =	smul.u32 $0x19, s5  }
0xc: {  	s7 =	sadd.s32 $0x40A00, s7;
	s10 =	smov.u32 s2;
	[sflag:s4] =	ssyncpa.u1 $0x0  }
0xd: {  	p0 =	por $0x0, $0x0;
	[sflag:s8] =	ssyncpa.u1 $0x0;
	s8 =	sadd.s32 $0x1, s5  }
.LBB1_7:
0xe: {  	s15 =	sadd.s32 $0x1000, s10  }
0xf: {  	s13 =	sadd.s32 $0x2, s11;
	s17 =	smov.u32 s11;
	p2 =	sgt.s32 s15, $0x3FFF  }
0x10: {  	s17 =	smov.u32 @p2 s13  }
0x11: {  	s15 =	smov.u32 @p2 s2;
	p2 =	sgt.s32 s17, $0x31  }
0x12: {  	s17 =	simm.s32 @p2 $0x0;
	p2 =	sne.s32 s12, s8  }
.Ltmp1:
0x13: {  	p1 =	slt.u32 s12, $0x2;
	(pc) =	sbr.rel @!p2 .LBB1_8-.Ltmp1, $4  }
0x14: {  	s16 =	simm.s32 @!p1 $0x2  }
0x15: {  	s14 =	smov.u32 s11;
	p0 =	por !p0, !p0;
	_ =	swait.ge @!p1 [sflag:s16], $0x4000  }
0x16: {  	s13 =	smov.u32 s10;
	[sflag:s16] =	ssyncset.done @!p1 $0x0;
	s10 =	smov.u32 s15  }
0x17: {  	s12 =	sadd.s32 $0x1, s12;
	[sflag:s16] =	ssyncadd.s32 @!p1 $0xFFFFC000;
	s11 =	smov.u32 s17  }
.LBB1_1:
0x18: {  	p1 =	sge.u32 s12, s5  }
0x19: {  	s15 =	sxor.u32 @!p1 $0xFFFFFFFF, s12;
	s16 =	sshll.u32 @!p1 s11, $0x12  }
0x1a: {  	s17 =	sshll.u32 @!p1 s10, $0x4;
	s19 =	simm.s32 @!p1 $0x40;
	s20 =	simm.s32 @!p1 $0x80  }
0x1b: {  	s15 =	sshll.u32 @!p1 s15, $0xE;
	s17 =	sand.u32 @!p1 $0x3FFF0, s17;
	s18 =	sadd.s32 @!p1 s6, s16  }
0x1c: {  	s16 =	sadd.s32 @!p1 s16, s7;
	s15 =	sand.u32 @!p1 $0x4000, s15;
	s18 =	sadd.s32 @!p1 s17, s18  }
0x1d: {  	[tilespmem:s15], [sflag:$0x1] =	stream.strided.gather @!p1 [hbm4b:s18+s19], $0x2000, s20, s19, $0x38;
	[tilespmem:$0x10100] =	vst v63  }
0x1e: {  	s31 =	sadd.s32 $0xFFFFFFFF, s12;
	s16 =	sadd.s32 @!p1 s17, s16;
	s15 =	sor.u32 @!p1 $0x2000, s15  }
0x1f: {  	[tilespmem:s15], [sflag:$0x1] =	stream.strided.gather @!p1 [hbm4b:s16+s19], $0x2000, s20, s19, $0x38;
	[tilespmem:$0x10100] =	vst v63  }
0x20: {  	p1 =	sge.u32 s31, s5  }
.Ltmp2:
0x21: {  	_ = 	snop;
	(pc) =	sbr.rel @p1 .LBB1_7-.Ltmp2, $1  }
0x22: {  	_ =	sdelay $0x3  }
0x23: {  	s15 =	simm.s32 $0x1;
	s17 =	sand.u32 $0x1, s12  }
0x24: {  	_ =	swait.ge [sflag:s4], $0x4000;
	s15 =	simm.s32 @!p0 $0x0;
	s17 =	smul.u32 $0x10200, s17  }
0x25: {  	p2 =	por $0x1, $0x1;
	[sflag:s4] =	ssyncset.done $0x0;
	s16 =	smul.u32 $0x10200, s15  }
0x26: {  	s18 =	sshll.u32 s15, $0x10;
	[sflag:s4] =	ssyncadd.s32 $0xFFFFC000;
	s30 =	sshrl.u32 s17, $0x2  }
0x27: {  	s31 =	sshrl.u32 s18, $0x2;
	s18 =	simm.s32 $0x0;
	s16 =	sshrl.u32 s16, $0x2  }
0x28: {  	s15 =	sor.u32 $0x8000, s30;
	s17 =	sadd.s32 $0x20, s31;
	s16 =	sor.u32 $0x8000, s16  }
.LBB1_3:
0x29: {  	s19 =	sshll.u32 s18, $0xD  }
0x2a: {  	s19 =	sand.u32 $0x3FFFE000, s19  }
0x2b: {  	s21 =	sadd.s32 s19, s17  }
0x2c: {  	s31 =	smul.u32 $0x8100, s18;
	v3 =	vld [tilespmem:s21+$0x10]  }
0x2d: {  	v1 =	vld [tilespmem:s21+$0xFFFFFFF0]  }
0x2e: {  	s18 =	sshra.s32 s31, $0x2;
	v0 =	vld [tilespmem:s21+$0x0]  }
0x2f: {  	s18 =	sadd.s32 s18, s16;
	v2 =	vld [tilespmem:s21+$0xFFFFFFE0]  }
0x30: {  	s19 =	sadd.s32 $0x0, s18  }
0x31: {  	p1 =	por p2, p2;
	s20 =	simm.s32 $0x4;
	s21 =	sadd.s32 $0x40, s21;
	[tilespmem:s19+$0x1830 ss:$0x81] =	vst.msk $0xffff, v3  }
.LBB1_4:
0x32: {  	v3 =	vld [tilespmem:s21+$0x10];
	p2 =	sne.s32 s20, $0x1FC;
	[tilespmem:s19+$0x810 ss:$0x81] =	vst.msk $0xffff, v1;
	s22 =	smov.u32 s20;
	s20 =	sadd.s32 $0x4, s20  }
.Ltmp3:
0x33: {  	v1 =	vld [tilespmem:s21+$0xFFFFFFF0];
	[tilespmem:s19+$0x1020 ss:$0x81] =	vst.msk $0xffff, v0;
	(pc) =	sbr.rel @p2 .LBB1_4-.Ltmp3, $4  }
0x34: {  	v0 =	vld [tilespmem:s21+$0x0];
	[tilespmem:s19+$0x0 ss:$0x81] =	vst.msk $0xffff, v2  }
0x35: {  	s19 =	sshra.s32 s22, $0x2;
	v2 =	vld [tilespmem:s21+$0xFFFFFFE0]  }
0x36: {  	s19 =	sadd.s32 s19, s18  }
0x37: {  	s21 =	sadd.s32 $0x40, s21;
	[tilespmem:s19+$0x1830 ss:$0x81] =	vst.msk $0xffff, v3  }
.Ltmp4:
0x38: {  	(pc) =	sbr.rel @p1 .LBB1_3-.Ltmp4, $4  }
0x39: {  	_ = 	snop  }
0x3a: {  	[tilespmem:s19+$0x810 ss:$0x81] =	vst.msk $0xffff, v1  }
0x3b: {  	[tilespmem:s19+$0x1020 ss:$0x81] =	vst.msk $0xffff, v0  }
0x3c: {  	s18 =	simm.s32 $0x1;
	p2 =	por $0x0, $0x0;
	[tilespmem:s19+$0x0 ss:$0x81] =	vst.msk $0xffff, v2  }
0x3d: {  	s16 =	sshll.u32 s13, $0x3;
	s17 =	sand.u32 $0x78, s13;
	s14 =	sshll.u32 s14, $0x11  }
.Ltmp5:
0x3e: {  	s30 =	sand.u32 $0x1F800, s13;
	s16 =	sand.u32 $0x3C00, s16;
	(pc) =	sbr.rel .LBB1_7-.Ltmp5, $4  }
0x3f: {  	s31 =	sand.u32 $0x7, s13;
	s14 =	sadd.s32 s3, s14;
	s16 =	sor.u32 s17, s16  }
0x40: {  	s13 =	sshll.u32 s31, $0x12;
	s14 =	sadd.s32 s30, s14;
	s16 =	sshrl.u32 s16, $0x3  }
0x41: {  	s13 =	sor.u32 $0x400, s13;
	s14 =	sadd.s32 s16, s14  }
0x42: {  	[hbm4b:s14+s13] =	stream.strided.scatter [tilespmem:s15], [sflag:$0x2], $0x4000, s9, s13, $0x20;
	[tilespmem:$0x10100] =	vst v63  }
.LBB1_8:
0x43: {  	_ =	sfence.sel $0x180000  }
0x44: {  	s2 =	simm.s32 $0x1;
	[bflag:$0x0] =	sbarrier.arrive $0xFFFF  }
0x45: {  	s31 =	simm.s32 $0x2;
	[sflag:s2] =	ssyncpa.u1 $0x1  }
0x46: {  	[sflag:s31] =	ssyncpa.u1 $0x1  }
0x47: {  	p0 =	sne.s32 s0, $0x0;
	_ =	strace $0x9000004A  }
0x48: {  	s0 =	sadd.s32 @!p0 $0x100000, s1;
	[bflag:$0x2] =	sbarrier.arrive $0xFFFF  }
0x49: {  	[sflag:s0] =	ssyncadd.tile.s32 @!p0 $0x1;
	_ =	shalt  }
.Lfunc_end1:
_tile_overlayer_lowered:
.L_overlay_start_2:
0x4a: {  	(tag) =	ssettag $0x2  }
0x4b: {  	s0 =	rddreg [dreg:$0x0];
	s2 =	stileid.u32  }
0x4c: {  	s1 =	rddreg [dreg:$0x1];
	p0 =	sne.s32 s2, $0x0  }
0x4d: {  	s3 =	rddreg [dreg:$0x2];
	[bflag:$0x3] =	sbarrier.arrive $0xFFFF;
	s2 =	simm.s32 @!p0 $0x1C01  }
0x4e: {  	[timem:s3], [sflag:s2] =	dma.local @!p0 [hbm:s0], s1  }
0x4f: {  	s0 =	simm.s32 @!p0 $0x1  }
0x50: {  	_ =	swait.ge @!p0 [sflag:s0], s1  }
0x51: {  	s1 =	ssub.s32 @!p0 $0x0, s1;
	[sflag:s0] =	ssyncset.done @!p0 $0x0  }
0x52: {  	[sflag:s0] =	ssyncadd.s32 @!p0 s1  }
0x53: {  	[bflag:$0x3] =	sbarrier.arrive $0xFFFF  }
0x54: {  	_ =	shalt  }

</sc_bundles>
